<compile_context>
chip_gen: v7x
topology: tpu7x:2x2x1
jax: 0.10.2.dev20260603
libtpu: 0.0.44.dev20260713+nightly
codegen_flags: <defaults>
</compile_context>

<pallas_src>
import jax
import jax.numpy as jnp
from jax import lax
from jax.experimental import pallas as pl
from jax.experimental.pallas import tpu as pltpu
from jax.experimental.pallas import tpu_sc as plsc

_N = 10000
_E = 320000
_NT = 16
_NR = 632
_NPAD = _NT * _NR
_K = 128
_C12 = 157
_C0 = 79
_BN = 1000
_GRID = _N // _BN

_MESH = plsc.VectorSubcoreMesh(
    core_axis_name="c", subcore_axis_name="s", num_cores=2)



def _agg0_body(x_hbm, src3, dst3, zrows, ones_hbm, agg_out, deg_out,
               src_v, dst_v, data_v, ones_v, acc, sem):
  c = lax.axis_index("c")
  s = lax.axis_index("s")
  w = c * _NT + s
  r0 = s * _NR

  pltpu.sync_copy(ones_hbm, ones_v)

  pltpu.sync_copy(zrows, acc.at[pl.ds(r0, _NR)])
  plsc.subcore_barrier()

  def step_deg(j, carry):
    pltpu.sync_copy(dst3.at[w, j], dst_v)
    pltpu.sync_copy(ones_v, acc.at[dst_v], add=True)
    return carry

  lax.fori_loop(0, _C0, step_deg, 0)
  plsc.subcore_barrier()
  pltpu.sync_copy(acc.at[pl.ds(r0, _NR)],
                  deg_out.at[pl.ds(c * _NPAD + r0, _NR)])

  pltpu.sync_copy(zrows, acc.at[pl.ds(r0, _NR)])
  plsc.subcore_barrier()

  def step_agg(j, carry):
    pltpu.sync_copy(src3.at[w, j], src_v)
    pltpu.sync_copy(dst3.at[w, j], dst_v)
    pltpu.async_copy(x_hbm.at[src_v], data_v, sem).wait()
    pltpu.sync_copy(data_v, acc.at[dst_v], add=True)
    return carry

  lax.fori_loop(0, _C0, step_agg, 0)
  plsc.subcore_barrier()
  pltpu.sync_copy(acc.at[pl.ds(r0, _NR)],
                  agg_out.at[pl.ds(c * _NPAD + r0, _NR)])


_AGG0 = pl.kernel(
    _agg0_body,
    mesh=_MESH,
    out_type=[jax.ShapeDtypeStruct((2 * _NPAD, 128), jnp.float32),
              jax.ShapeDtypeStruct((2 * _NPAD, 128), jnp.float32)],
    scratch_types=[
        pltpu.VMEM((_K,), jnp.int32),
        pltpu.VMEM((_K,), jnp.int32),
        pltpu.VMEM((_K, 128), jnp.float32),
        pltpu.VMEM((_K, 128), jnp.float32),
        pltpu.VMEM_SHARED((_NPAD, 128), jnp.float32),
        pltpu.SemaphoreType.DMA,
    ],
)


def _agg12_body(h2, src3, dst3, zrows, out,
                src_v, idx_v, dst_v, data_v, acc, sem):
  c = lax.axis_index("c")
  s = lax.axis_index("s")
  r0 = s * _NR
  cn = c * _N

  pltpu.sync_copy(zrows, acc.at[pl.ds(r0, _NR)])
  plsc.subcore_barrier()

  def step(j, carry):
    pltpu.sync_copy(src3.at[s, j], src_v)
    pltpu.sync_copy(dst3.at[s, j], dst_v)
    for k in range(_K // 16):
      sl = pl.ds(k * 16, 16)
      idx_v[sl] = src_v[sl] + cn
    pltpu.async_copy(h2.at[idx_v], data_v, sem).wait()
    pltpu.sync_copy(data_v, acc.at[dst_v], add=True)
    return carry

  lax.fori_loop(0, _C12, step, 0)
  plsc.subcore_barrier()
  pltpu.sync_copy(acc.at[pl.ds(r0, _NR)],
                  out.at[pl.ds(c * _NPAD + r0, _NR)])


_AGG12 = pl.kernel(
    _agg12_body,
    mesh=_MESH,
    out_type=jax.ShapeDtypeStruct((2 * _NPAD, 128), jnp.float32),
    scratch_types=[
        pltpu.VMEM((_K,), jnp.int32),
        pltpu.VMEM((_K,), jnp.int32),
        pltpu.VMEM((_K,), jnp.int32),
        pltpu.VMEM((_K, 128), jnp.float32),
        pltpu.VMEM_SHARED((_NPAD, 128), jnp.float32),
        pltpu.SemaphoreType.DMA,
    ],
)



def _bn_relu(z, bn):
  scale = bn[1] * lax.rsqrt(bn[4] + 1e-5)
  shift = (bn[0] - bn[3]) * scale + bn[2]
  return jnp.maximum(z * scale[None, :] + shift[None, :], 0.0)


def _recip_deg(deg):
  return 1.0 / jnp.maximum(deg[0][:, 0:1] + deg[1][:, 0:1], 1.0)


def _dot(a, b):
  return jnp.dot(a, b, preferred_element_type=jnp.float32)


def _dense0_body(agg_ref, deg_ref, x_ref, wl_ref, wr_ref, bn_ref, out_ref):
  agg = agg_ref[...]
  a = (agg[0] + agg[1]) * _recip_deg(deg_ref[...])
  z = _dot(a, wl_ref[...]) + _dot(x_ref[...], wr_ref[...])
  y = _bn_relu(z, bn_ref[...])
  out_ref[0] = y[:, :128]
  out_ref[1] = y[:, 128:]


def _dense1_body(agg_ref, deg_ref, h_ref, wl_ref, wr_ref, bn_ref, out_ref):
  agg = agg_ref[...]
  recip = _recip_deg(deg_ref[...])
  wl = wl_ref[...]
  wr = wr_ref[...]
  h = h_ref[...]
  z = (_dot(agg[0] * recip, wl[:128]) + _dot(agg[1] * recip, wl[128:])
       + _dot(h[0], wr[:128]) + _dot(h[1], wr[128:]))
  y = _bn_relu(z, bn_ref[...])
  out_ref[0] = y[:, :128]
  out_ref[1] = y[:, 128:]


def _dense2_body(agg_ref, deg_ref, h_ref, wl_ref, wr_ref, bn_ref,
                 wc_ref, bc_ref, out_ref):
  agg = agg_ref[...]
  recip = _recip_deg(deg_ref[...])
  wl = wl_ref[...]
  wr = wr_ref[...]
  h = h_ref[...]
  z = (_dot(agg[0] * recip, wl[:128]) + _dot(agg[1] * recip, wl[128:])
       + _dot(h[0], wr[:128]) + _dot(h[1], wr[128:]))
  y = _bn_relu(z, bn_ref[...])
  out_ref[...] = _dot(y, wc_ref[...]) + bc_ref[...]


def _full(shape):
  return pl.BlockSpec(shape, lambda i: tuple(0 for _ in shape))


_AGG_SPEC = pl.BlockSpec((2, _BN, 128), lambda i: (0, i, 0))

_DENSE0 = pl.pallas_call(
    _dense0_body,
    grid=(_GRID,),
    in_specs=[
        _AGG_SPEC,
        _AGG_SPEC,
        pl.BlockSpec((_BN, 128), lambda i: (i, 0)),
        _full((128, 256)),
        _full((128, 256)),
        _full((5, 256)),
    ],
    out_specs=pl.BlockSpec((2, _BN, 128), lambda i: (0, i, 0)),
    out_shape=jax.ShapeDtypeStruct((2, _N, 128), jnp.float32),
)

_DENSE1 = pl.pallas_call(
    _dense1_body,
    grid=(_GRID,),
    in_specs=[
        _AGG_SPEC,
        _AGG_SPEC,
        pl.BlockSpec((2, _BN, 128), lambda i: (0, i, 0)),
        _full((256, 256)),
        _full((256, 256)),
        _full((5, 256)),
    ],
    out_specs=pl.BlockSpec((2, _BN, 128), lambda i: (0, i, 0)),
    out_shape=jax.ShapeDtypeStruct((2, _N, 128), jnp.float32),
)

_DENSE2 = pl.pallas_call(
    _dense2_body,
    grid=(_GRID,),
    in_specs=[
        _AGG_SPEC,
        _AGG_SPEC,
        pl.BlockSpec((2, _BN, 128), lambda i: (0, i, 0)),
        _full((256, 128)),
        _full((256, 128)),
        _full((5, 128)),
        _full((128, 2)),
        _full((1, 2)),
    ],
    out_specs=pl.BlockSpec((_BN, 2), lambda i: (i, 0)),
    out_shape=jax.ShapeDtypeStruct((_N, 2), jnp.float32),
)


def kernel(x, edge_index,
           Wl0, Wr0, b0, g0, be0, rm0, rv0,
           Wl1, Wr1, b1, g1, be1, rm1, rv1,
           Wl2, Wr2, b2, g2, be2, rm2, rv2,
           Wc, bc):
  src = edge_index[0]
  dst = edge_index[1]

  e0 = 2 * _NT * _C0 * _K
  src0 = jnp.concatenate(
      [src, jnp.zeros((e0 - _E,), jnp.int32)]).reshape(2 * _NT, _C0, _K)
  dst0 = jnp.concatenate(
      [dst, jnp.full((e0 - _E,), _N, jnp.int32)]).reshape(2 * _NT, _C0, _K)

  e12 = _NT * _C12 * _K
  src12 = jnp.concatenate(
      [src, jnp.zeros((e12 - _E,), jnp.int32)]).reshape(_NT, _C12, _K)
  dst12 = jnp.concatenate(
      [dst, jnp.full((e12 - _E,), _N, jnp.int32)]).reshape(_NT, _C12, _K)

  zrows = jnp.zeros((_NR, 128), jnp.float32)
  ones = jnp.ones((_K, 128), jnp.float32)

  bn0 = jnp.stack([b0, g0, be0, rm0, rv0])
  bn1 = jnp.stack([b1, g1, be1, rm1, rv1])
  bn2 = jnp.stack([b2, g2, be2, rm2, rv2])

  agg0, deg = _AGG0(x, src0, dst0, zrows, ones)
  deg = deg.reshape(2, _NPAD, 128)
  h0 = _DENSE0(agg0.reshape(2, _NPAD, 128), deg, x, Wl0, Wr0, bn0)

  agg1 = _AGG12(h0.reshape(2 * _N, 128), src12, dst12, zrows)
  h1 = _DENSE1(agg1.reshape(2, _NPAD, 128), deg, h0, Wl1, Wr1, bn1)

  agg2 = _AGG12(h1.reshape(2 * _N, 128), src12, dst12, zrows)
  return _DENSE2(agg2.reshape(2, _NPAD, 128), deg, h1, Wl2, Wr2, bn2,
                 Wc, bc.reshape(1, 2))

# --- scband reference (transcript-rebuilt; emitter-appended) ---
"""Pipeline reference for scband-fraud-graph-sage-66623532695726 (READ-ONLY COPY).

The authoritative reference and input builder live on the scoring server;
editing this copy changes nothing except your own understanding.
"""

import jax, jax.numpy as jnp
import numpy as np

N = 10000
E = 320000
DIN = 128
H = 256
DIMS = [(DIN, H), (H, H), (H, H // 2)]

def setup_inputs(seed: int = 0):
    key = jax.random.key(seed)
    inp = {}
    inp["x"] = jax.random.normal(jax.random.fold_in(key, 0), (N, DIN), dtype=jnp.float32)
    inp["edge_index"] = jax.random.randint(jax.random.fold_in(key, 1), (2, E), 0, N, dtype=jnp.int32)
    c = 2
    for i, (di, do) in enumerate(DIMS):
        s = 1.0 / np.sqrt(di)
        inp["Wl%d" % i] = jax.random.uniform(jax.random.fold_in(key, c), (di, do), minval=-s, maxval=s, dtype=jnp.float32); c += 1
        inp["Wr%d" % i] = jax.random.uniform(jax.random.fold_in(key, c), (di, do), minval=-s, maxval=s, dtype=jnp.float32); c += 1
        inp["b%d" % i] = jnp.zeros((do,), dtype=jnp.float32)
        inp["g%d" % i] = jnp.ones((do,), dtype=jnp.float32)
        inp["be%d" % i] = jnp.zeros((do,), dtype=jnp.float32)
        inp["rm%d" % i] = jnp.zeros((do,), dtype=jnp.float32)
        inp["rv%d" % i] = jnp.ones((do,), dtype=jnp.float32)
    sc = 1.0 / np.sqrt(H // 2)
    inp["Wc"] = jax.random.uniform(jax.random.fold_in(key, c), (H // 2, 2), minval=-sc, maxval=sc, dtype=jnp.float32)
    inp["bc"] = jnp.zeros((2,), dtype=jnp.float32)
    return inp

def _forward(x, edge_index, params):
    # PyG SAGEConv semantics: out = lin_l(mean_aggr(x_j)) + lin_r(x_i) + bias
    src = edge_index[0]
    dst = edge_index[1]
    ones = jnp.ones((edge_index.shape[1],), dtype=x.dtype)
    deg = jax.ops.segment_sum(ones, dst, num_segments=N)
    deg = jnp.maximum(deg, 1.0)
    h = x
    for i in range(len(DIMS)):
        msgs = jnp.take(h, src, axis=0)
        agg = jax.ops.segment_sum(msgs, dst, num_segments=N) / deg[:, None]
        h = agg @ params["Wl%d" % i] + h @ params["Wr%d" % i] + params["b%d" % i]
        # BatchNorm1d in eval mode (running stats); dropout is identity in eval
        h = (h - params["rm%d" % i]) / jnp.sqrt(params["rv%d" % i] + 1e-5) * params["g%d" % i] + params["be%d" % i]
        h = jax.nn.relu(h)
    return h @ params["Wc"] + params["bc"]

def reference(x, edge_index,
              Wl0, Wr0, b0, g0, be0, rm0, rv0,
              Wl1, Wr1, b1, g1, be1, rm1, rv1,
              Wl2, Wr2, b2, g2, be2, rm2, rv2,
              Wc, bc):
    params = {
        "Wl0": Wl0, "Wr0": Wr0, "b0": b0, "g0": g0, "be0": be0, "rm0": rm0, "rv0": rv0,
        "Wl1": Wl1, "Wr1": Wr1, "b1": b1, "g1": g1, "be1": be1, "rm1": rm1, "rv1": rv1,
        "Wl2": Wl2, "Wr2": Wr2, "b2": b2, "g2": g2, "be2": be2, "rm2": rm2, "rv2": rv2,
        "Wc": Wc, "bc": bc,
    }
    return _forward(x, edge_index, params)

if __name__ == "__main__":
    import jax
    _d = setup_inputs()
    print(jax.jit(kernel)(*tuple(_d.values())))

</pallas_src>

<mosaic_0001>
#map = affine_map<(d0, d1) -> (0, 0)>
#map1 = affine_map<(d0, d1) -> (0, 0, 0)>
module attributes {stable_mosaic.version = 14 : i64} {
  func.func @_agg12_body(%arg0: i32, %arg1: i32, %arg2: memref<20000x128xf32, #tpu.memory_space<hbm>>, %arg3: memref<16x157x128xi32, #tpu.memory_space<hbm>>, %arg4: memref<16x157x128xi32, #tpu.memory_space<hbm>>, %arg5: memref<632x128xf32, #tpu.memory_space<hbm>>, %arg6: memref<20224x128xf32, #tpu.memory_space<hbm>>, %arg7: memref<128xi32, #tpu.memory_space<vmem>>, %arg8: memref<128xi32, #tpu.memory_space<vmem>>, %arg9: memref<128xi32, #tpu.memory_space<vmem>>, %arg10: memref<128x128xf32, #tpu.memory_space<vmem>>, %arg11: memref<10112x128xf32, #tpu.memory_space<vmem_shared>>, %arg12: memref<!tpu.dma_semaphore, #tpu.memory_space<semaphore_mem>>) attributes {dimension_semantics = [#tpu.dimension_semantics<core_parallel>, #tpu.dimension_semantics<subcore_parallel>], iteration_bounds = array<i64: 2, 16>, scalar_prefetch = 0 : i64, scratch_operands = 6 : i64, tpu.core_type = #tpu.core_type<sc_vector_subcore>, window_params = [{transform_indices = #map}, {transform_indices = #map1}, {transform_indices = #map1}, {transform_indices = #map}, {transform_indices = #map}]} {
    %mul3A = arith.constant 632 : i32
    %mul3A_0 = arith.muli %arg1, %mul3A : i32
    %mul3A_1 = arith.constant 10000 : i32
    %mul3A_2 = arith.muli %arg0, %mul3A_1 : i32
    "tpu.region"() ({
      %run_scoped3A = tpu.sem_alloc : memref<!tpu.dma_semaphore, #tpu.memory_space<semaphore_mem>>
      %dma_start3A = arith.constant 0 : i32
      %dma_start3A_11 = tpu.memref_slice %arg11[%mul3A_0, %dma_start3A] : memref<10112x128xf32, #tpu.memory_space<vmem_shared>> -> memref<632x128xf32, #tpu.memory_space<vmem_shared>>
      tpu.enqueue_dma source(%arg5 : memref<632x128xf32, #tpu.memory_space<hbm>>) target(%dma_start3A_11 : memref<632x128xf32, #tpu.memory_space<vmem_shared>>) target_semaphore(%run_scoped3A : memref<!tpu.dma_semaphore, #tpu.memory_space<semaphore_mem>>)
      %dma_wait3A = arith.constant 0 : i32
      %dma_wait3A_12 = tpu.memref_slice %arg11[%mul3A_0, %dma_wait3A] : memref<10112x128xf32, #tpu.memory_space<vmem_shared>> -> memref<632x128xf32, #tpu.memory_space<vmem_shared>>
      tpu.wait_dma2 semaphore(%run_scoped3A : memref<!tpu.dma_semaphore, #tpu.memory_space<semaphore_mem>>) src(%arg5 : memref<632x128xf32, #tpu.memory_space<hbm>>) dst(%dma_wait3A_12 : memref<632x128xf32, #tpu.memory_space<vmem_shared>>)
      tpu.yield
    }) : () -> ()
    %barrier3A = arith.constant 0 : index
    tpu.barrier barrier_id(%barrier3A)
    %scan3A = arith.constant 0 : i32
    %scan3A_3 = arith.constant 0 : i32
    %scan3A_4 = arith.constant 157 : i32
    %scan3A_5 = arith.addi %scan3A_3, %scan3A_4 : i32
    %scan3A_6 = arith.constant 1 : i32
    scf.for %scan3A_11 = %scan3A_3 to %scan3A_5 step %scan3A_6  : i32 {
      "tpu.region"() ({
        %run_scoped3A = tpu.sem_alloc : memref<!tpu.dma_semaphore, #tpu.memory_space<semaphore_mem>>
        %dma_start3A_86 = arith.constant 0 : i32
        %dma_start3A_87 = tpu.memref_slice %arg3[%arg1, %scan3A_11, %dma_start3A_86] : memref<16x157x128xi32, #tpu.memory_space<hbm>> -> memref<1x1x128xi32, #tpu.memory_space<hbm>>
        %dma_start3A_88 = tpu.memref_squeeze %dma_start3A_87 : memref<1x1x128xi32, #tpu.memory_space<hbm>> -> memref<128xi32, #tpu.memory_space<hbm>>
        %dma_start3A_89 = arith.constant 0 : i32
        %dma_start3A_90 = tpu.memref_slice %arg3[%arg1, %scan3A_11, %dma_start3A_89] : memref<16x157x128xi32, #tpu.memory_space<hbm>> -> memref<1x1x128xi32, #tpu.memory_space<hbm>>
        %dma_start3A_91 = tpu.memref_squeeze %dma_start3A_90 : memref<1x1x128xi32, #tpu.memory_space<hbm>> -> memref<128xi32, #tpu.memory_space<hbm>>
        tpu.enqueue_dma source(%dma_start3A_91 : memref<128xi32, #tpu.memory_space<hbm>>) target(%arg7 : memref<128xi32, #tpu.memory_space<vmem>>) target_semaphore(%run_scoped3A : memref<!tpu.dma_semaphore, #tpu.memory_space<semaphore_mem>>)
        %dma_wait3A_92 = arith.constant 0 : i32
        %dma_wait3A_93 = tpu.memref_slice %arg3[%arg1, %scan3A_11, %dma_wait3A_92] : memref<16x157x128xi32, #tpu.memory_space<hbm>> -> memref<1x1x128xi32, #tpu.memory_space<hbm>>
        %dma_wait3A_94 = tpu.memref_squeeze %dma_wait3A_93 : memref<1x1x128xi32, #tpu.memory_space<hbm>> -> memref<128xi32, #tpu.memory_space<hbm>>
        %dma_wait3A_95 = arith.constant 0 : i32
        %dma_wait3A_96 = tpu.memref_slice %arg3[%arg1, %scan3A_11, %dma_wait3A_95] : memref<16x157x128xi32, #tpu.memory_space<hbm>> -> memref<1x1x128xi32, #tpu.memory_space<hbm>>
        %dma_wait3A_97 = tpu.memref_squeeze %dma_wait3A_96 : memref<1x1x128xi32, #tpu.memory_space<hbm>> -> memref<128xi32, #tpu.memory_space<hbm>>
        tpu.wait_dma2 semaphore(%run_scoped3A : memref<!tpu.dma_semaphore, #tpu.memory_space<semaphore_mem>>) src(%dma_wait3A_97 : memref<128xi32, #tpu.memory_space<hbm>>) dst(%arg7 : memref<128xi32, #tpu.memory_space<vmem>>)
        tpu.yield
      }) : () -> ()
      "tpu.region"() ({
        %run_scoped3A = tpu.sem_alloc : memref<!tpu.dma_semaphore, #tpu.memory_space<semaphore_mem>>
        %dma_start3A_86 = arith.constant 0 : i32
        %dma_start3A_87 = tpu.memref_slice %arg4[%arg1, %scan3A_11, %dma_start3A_86] : memref<16x157x128xi32, #tpu.memory_space<hbm>> -> memref<1x1x128xi32, #tpu.memory_space<hbm>>
        %dma_start3A_88 = tpu.memref_squeeze %dma_start3A_87 : memref<1x1x128xi32, #tpu.memory_space<hbm>> -> memref<128xi32, #tpu.memory_space<hbm>>
        %dma_start3A_89 = arith.constant 0 : i32
        %dma_start3A_90 = tpu.memref_slice %arg4[%arg1, %scan3A_11, %dma_start3A_89] : memref<16x157x128xi32, #tpu.memory_space<hbm>> -> memref<1x1x128xi32, #tpu.memory_space<hbm>>
        %dma_start3A_91 = tpu.memref_squeeze %dma_start3A_90 : memref<1x1x128xi32, #tpu.memory_space<hbm>> -> memref<128xi32, #tpu.memory_space<hbm>>
        tpu.enqueue_dma source(%dma_start3A_91 : memref<128xi32, #tpu.memory_space<hbm>>) target(%arg9 : memref<128xi32, #tpu.memory_space<vmem>>) target_semaphore(%run_scoped3A : memref<!tpu.dma_semaphore, #tpu.memory_space<semaphore_mem>>)
        %dma_wait3A_92 = arith.constant 0 : i32
        %dma_wait3A_93 = tpu.memref_slice %arg4[%arg1, %scan3A_11, %dma_wait3A_92] : memref<16x157x128xi32, #tpu.memory_space<hbm>> -> memref<1x1x128xi32, #tpu.memory_space<hbm>>
        %dma_wait3A_94 = tpu.memref_squeeze %dma_wait3A_93 : memref<1x1x128xi32, #tpu.memory_space<hbm>> -> memref<128xi32, #tpu.memory_space<hbm>>
        %dma_wait3A_95 = arith.constant 0 : i32
        %dma_wait3A_96 = tpu.memref_slice %arg4[%arg1, %scan3A_11, %dma_wait3A_95] : memref<16x157x128xi32, #tpu.memory_space<hbm>> -> memref<1x1x128xi32, #tpu.memory_space<hbm>>
        %dma_wait3A_97 = tpu.memref_squeeze %dma_wait3A_96 : memref<1x1x128xi32, #tpu.memory_space<hbm>> -> memref<128xi32, #tpu.memory_space<hbm>>
        tpu.wait_dma2 semaphore(%run_scoped3A : memref<!tpu.dma_semaphore, #tpu.memory_space<semaphore_mem>>) src(%dma_wait3A_97 : memref<128xi32, #tpu.memory_space<hbm>>) dst(%arg9 : memref<128xi32, #tpu.memory_space<vmem>>)
        tpu.yield
      }) : () -> ()
      %get3A = arith.constant 0 : index
      %get3A_12 = tpu.vector_load %arg7[%get3A] {strides = array<i32>} : memref<128xi32, #tpu.memory_space<vmem>>, vector<16xi32>,
      %get3A_13 = vector.shape_cast %get3A_12 : vector<16xi32> to vector<16xi32>
      %add3A_14 = vector.broadcast %mul3A_2 : i32 to vector<16xi32>
      %add3A_15 = arith.addi %get3A_13, %add3A_14 : vector<16xi32>
      %swap3A = arith.constant 0 : index
      %swap3A_16 = tpu.vector_load %arg8[%swap3A] {strides = array<i32>} : memref<128xi32, #tpu.memory_space<vmem>>, vector<16xi32>,
      %swap3A_17 = vector.shape_cast %swap3A_16 : vector<16xi32> to vector<16xi32>
      %swap3A_18 = vector.shape_cast %add3A_15 : vector<16xi32> to vector<16xi32>
      tpu.vector_store %arg8[%swap3A], %swap3A_18 {strides = array<i32>} : memref<128xi32, #tpu.memory_space<vmem>>, vector<16xi32>,
      %get3A_19 = arith.constant 16 : index
      %get3A_20 = tpu.vector_load %arg7[%get3A_19] {strides = array<i32>} : memref<128xi32, #tpu.memory_space<vmem>>, vector<16xi32>,
      %get3A_21 = vector.shape_cast %get3A_20 : vector<16xi32> to vector<16xi32>
      %add3A_22 = vector.broadcast %mul3A_2 : i32 to vector<16xi32>
      %add3A_23 = arith.addi %get3A_21, %add3A_22 : vector<16xi32>
      %swap3A_24 = arith.constant 16 : index
      %swap3A_25 = tpu.vector_load %arg8[%swap3A_24] {strides = array<i32>} : memref<128xi32, #tpu.memory_space<vmem>>, vector<16xi32>,
      %swap3A_26 = vector.shape_cast %swap3A_25 : vector<16xi32> to vector<16xi32>
      %swap3A_27 = vector.shape_cast %add3A_23 : vector<16xi32> to vector<16xi32>
      tpu.vector_store %arg8[%swap3A_24], %swap3A_27 {strides = array<i32>} : memref<128xi32, #tpu.memory_space<vmem>>, vector<16xi32>,
      %get3A_28 = arith.constant 32 : index
      %get3A_29 = tpu.vector_load %arg7[%get3A_28] {strides = array<i32>} : memref<128xi32, #tpu.memory_space<vmem>>, vector<16xi32>,
      %get3A_30 = vector.shape_cast %get3A_29 : vector<16xi32> to vector<16xi32>
      %add3A_31 = vector.broadcast %mul3A_2 : i32 to vector<16xi32>
      %add3A_32 = arith.addi %get3A_30, %add3A_31 : vector<16xi32>
      %swap3A_33 = arith.constant 32 : index
      %swap3A_34 = tpu.vector_load %arg8[%swap3A_33] {strides = array<i32>} : memref<128xi32, #tpu.memory_space<vmem>>, vector<16xi32>,
      %swap3A_35 = vector.shape_cast %swap3A_34 : vector<16xi32> to vector<16xi32>
      %swap3A_36 = vector.shape_cast %add3A_32 : vector<16xi32> to vector<16xi32>
      tpu.vector_store %arg8[%swap3A_33], %swap3A_36 {strides = array<i32>} : memref<128xi32, #tpu.memory_space<vmem>>, vector<16xi32>,
      %get3A_37 = arith.constant 48 : index
      %get3A_38 = tpu.vector_load %arg7[%get3A_37] {strides = array<i32>} : memref<128xi32, #tpu.memory_space<vmem>>, vector<16xi32>,
      %get3A_39 = vector.shape_cast %get3A_38 : vector<16xi32> to vector<16xi32>
      %add3A_40 = vector.broadcast %mul3A_2 : i32 to vector<16xi32>
      %add3A_41 = arith.addi %get3A_39, %add3A_40 : vector<16xi32>
      %swap3A_42 = arith.constant 48 : index
      %swap3A_43 = tpu.vector_load %arg8[%swap3A_42] {strides = array<i32>} : memref<128xi32, #tpu.memory_space<vmem>>, vector<16xi32>,
      %swap3A_44 = vector.shape_cast %swap3A_43 : vector<16xi32> to vector<16xi32>
      %swap3A_45 = vector.shape_cast %add3A_41 : vector<16xi32> to vector<16xi32>
      tpu.vector_store %arg8[%swap3A_42], %swap3A_45 {strides = array<i32>} : memref<128xi32, #tpu.memory_space<vmem>>, vector<16xi32>,
      %get3A_46 = arith.constant 64 : index
      %get3A_47 = tpu.vector_load %arg7[%get3A_46] {strides = array<i32>} : memref<128xi32, #tpu.memory_space<vmem>>, vector<16xi32>,
      %get3A_48 = vector.shape_cast %get3A_47 : vector<16xi32> to vector<16xi32>
      %add3A_49 = vector.broadcast %mul3A_2 : i32 to vector<16xi32>
      %add3A_50 = arith.addi %get3A_48, %add3A_49 : vector<16xi32>
      %swap3A_51 = arith.constant 64 : index
      %swap3A_52 = tpu.vector_load %arg8[%swap3A_51] {strides = array<i32>} : memref<128xi32, #tpu.memory_space<vmem>>, vector<16xi32>,
      %swap3A_53 = vector.shape_cast %swap3A_52 : vector<16xi32> to vector<16xi32>
      %swap3A_54 = vector.shape_cast %add3A_50 : vector<16xi32> to vector<16xi32>
      tpu.vector_store %arg8[%swap3A_51], %swap3A_54 {strides = array<i32>} : memref<128xi32, #tpu.memory_space<vmem>>, vector<16xi32>,
      %get3A_55 = arith.constant 80 : index
      %get3A_56 = tpu.vector_load %arg7[%get3A_55] {strides = array<i32>} : memref<128xi32, #tpu.memory_space<vmem>>, vector<16xi32>,
      %get3A_57 = vector.shape_cast %get3A_56 : vector<16xi32> to vector<16xi32>
      %add3A_58 = vector.broadcast %mul3A_2 : i32 to vector<16xi32>
      %add3A_59 = arith.addi %get3A_57, %add3A_58 : vector<16xi32>
      %swap3A_60 = arith.constant 80 : index
      %swap3A_61 = tpu.vector_load %arg8[%swap3A_60] {strides = array<i32>} : memref<128xi32, #tpu.memory_space<vmem>>, vector<16xi32>,
      %swap3A_62 = vector.shape_cast %swap3A_61 : vector<16xi32> to vector<16xi32>
      %swap3A_63 = vector.shape_cast %add3A_59 : vector<16xi32> to vector<16xi32>
      tpu.vector_store %arg8[%swap3A_60], %swap3A_63 {strides = array<i32>} : memref<128xi32, #tpu.memory_space<vmem>>, vector<16xi32>,
      %get3A_64 = arith.constant 96 : index
      %get3A_65 = tpu.vector_load %arg7[%get3A_64] {strides = array<i32>} : memref<128xi32, #tpu.memory_space<vmem>>, vector<16xi32>,
      %get3A_66 = vector.shape_cast %get3A_65 : vector<16xi32> to vector<16xi32>
      %add3A_67 = vector.broadcast %mul3A_2 : i32 to vector<16xi32>
      %add3A_68 = arith.addi %get3A_66, %add3A_67 : vector<16xi32>
      %swap3A_69 = arith.constant 96 : index
      %swap3A_70 = tpu.vector_load %arg8[%swap3A_69] {strides = array<i32>} : memref<128xi32, #tpu.memory_space<vmem>>, vector<16xi32>,
      %swap3A_71 = vector.shape_cast %swap3A_70 : vector<16xi32> to vector<16xi32>
      %swap3A_72 = vector.shape_cast %add3A_68 : vector<16xi32> to vector<16xi32>
      tpu.vector_store %arg8[%swap3A_69], %swap3A_72 {strides = array<i32>} : memref<128xi32, #tpu.memory_space<vmem>>, vector<16xi32>,
      %get3A_73 = arith.constant 112 : index
      %get3A_74 = tpu.vector_load %arg7[%get3A_73] {strides = array<i32>} : memref<128xi32, #tpu.memory_space<vmem>>, vector<16xi32>,
      %get3A_75 = vector.shape_cast %get3A_74 : vector<16xi32> to vector<16xi32>
      %add3A_76 = vector.broadcast %mul3A_2 : i32 to vector<16xi32>
      %add3A_77 = arith.addi %get3A_75, %add3A_76 : vector<16xi32>
      %swap3A_78 = arith.constant 112 : index
      %swap3A_79 = tpu.vector_load %arg8[%swap3A_78] {strides = array<i32>} : memref<128xi32, #tpu.memory_space<vmem>>, vector<16xi32>,
      %swap3A_80 = vector.shape_cast %swap3A_79 : vector<16xi32> to vector<16xi32>
      %swap3A_81 = vector.shape_cast %add3A_77 : vector<16xi32> to vector<16xi32>
      tpu.vector_store %arg8[%swap3A_78], %swap3A_81 {strides = array<i32>} : memref<128xi32, #tpu.memory_space<vmem>>, vector<16xi32>,
      %dma_start3A = arith.constant 0 : i32
      %dma_start3A_82 = arith.constant 0 : i32
      %dma_start3A_83 = tpu.memref_slice %arg2[%dma_start3A, %dma_start3A_82] : memref<20000x128xf32, #tpu.memory_space<hbm>> -> memref<20000x128xf32, #tpu.memory_space<hbm>>
      tpu.enqueue_indirect_dma source(%dma_start3A_83 : memref<20000x128xf32, #tpu.memory_space<hbm>>) target(%arg10 : memref<128x128xf32, #tpu.memory_space<vmem>>) offsets(%arg8 : memref<128xi32, #tpu.memory_space<vmem>>) semaphore(%arg12 : memref<!tpu.dma_semaphore, #tpu.memory_space<semaphore_mem>>)
      %dma_wait3A = arith.constant 0 : i32
      %dma_wait3A_84 = arith.constant 0 : i32
      %dma_wait3A_85 = tpu.memref_slice %arg2[%dma_wait3A, %dma_wait3A_84] : memref<20000x128xf32, #tpu.memory_space<hbm>> -> memref<20000x128xf32, #tpu.memory_space<hbm>>
      tpu.wait_indirect_dma semaphore(%arg12 : memref<!tpu.dma_semaphore, #tpu.memory_space<semaphore_mem>>) src(%dma_wait3A_85 : memref<20000x128xf32, #tpu.memory_space<hbm>>) dst(%arg10 : memref<128x128xf32, #tpu.memory_space<vmem>>)
      "tpu.region"() ({
        %run_scoped3A = tpu.sem_alloc : memref<!tpu.dma_semaphore, #tpu.memory_space<semaphore_mem>>
        %dma_start3A_86 = arith.constant 0 : i32
        %dma_start3A_87 = arith.constant 0 : i32
        %dma_start3A_88 = tpu.memref_slice %arg11[%dma_start3A_86, %dma_start3A_87] : memref<10112x128xf32, #tpu.memory_space<vmem_shared>> -> memref<10112x128xf32, #tpu.memory_space<vmem_shared>>
        tpu.enqueue_indirect_dma source(%arg10 : memref<128x128xf32, #tpu.memory_space<vmem>>) target(%dma_start3A_88 : memref<10112x128xf32, #tpu.memory_space<vmem_shared>>) offsets(%arg9 : memref<128xi32, #tpu.memory_space<vmem>>) semaphore(%run_scoped3A : memref<!tpu.dma_semaphore, #tpu.memory_space<semaphore_mem>>) {add = true}
        %dma_wait3A_89 = arith.constant 0 : i32
        %dma_wait3A_90 = arith.constant 0 : i32
        %dma_wait3A_91 = tpu.memref_slice %arg11[%dma_wait3A_89, %dma_wait3A_90] : memref<10112x128xf32, #tpu.memory_space<vmem_shared>> -> memref<10112x128xf32, #tpu.memory_space<vmem_shared>>
        tpu.wait_indirect_dma semaphore(%run_scoped3A : memref<!tpu.dma_semaphore, #tpu.memory_space<semaphore_mem>>) src(%arg10 : memref<128x128xf32, #tpu.memory_space<vmem>>) dst(%dma_wait3A_91 : memref<10112x128xf32, #tpu.memory_space<vmem_shared>>)
        tpu.yield
      }) : () -> ()
    }
    %scan3A_7 = arith.constant 157 : i32
    %barrier3A_8 = arith.constant 0 : index
    tpu.barrier barrier_id(%barrier3A_8)
    %mul3A_9 = arith.constant 10112 : i32
    %mul3A_10 = arith.muli %arg0, %mul3A_9 : i32
    %add3A = arith.addi %mul3A_10, %mul3A_0 : i32
    "tpu.region"() ({
      %run_scoped3A = tpu.sem_alloc : memref<!tpu.dma_semaphore, #tpu.memory_space<semaphore_mem>>
      %dma_start3A = arith.constant 0 : i32
      %dma_start3A_11 = tpu.memref_slice %arg6[%add3A, %dma_start3A] : memref<20224x128xf32, #tpu.memory_space<hbm>> -> memref<632x128xf32, #tpu.memory_space<hbm>>
      %dma_start3A_12 = arith.constant 0 : i32
      %dma_start3A_13 = tpu.memref_slice %arg11[%mul3A_0, %dma_start3A_12] : memref<10112x128xf32, #tpu.memory_space<vmem_shared>> -> memref<632x128xf32, #tpu.memory_space<vmem_shared>>
      tpu.enqueue_dma source(%dma_start3A_13 : memref<632x128xf32, #tpu.memory_space<vmem_shared>>) target(%dma_start3A_11 : memref<632x128xf32, #tpu.memory_space<hbm>>) target_semaphore(%run_scoped3A : memref<!tpu.dma_semaphore, #tpu.memory_space<semaphore_mem>>)
      %dma_wait3A = arith.constant 0 : i32
      %dma_wait3A_14 = tpu.memref_slice %arg6[%add3A, %dma_wait3A] : memref<20224x128xf32, #tpu.memory_space<hbm>> -> memref<632x128xf32, #tpu.memory_space<hbm>>
      %dma_wait3A_15 = arith.constant 0 : i32
      %dma_wait3A_16 = tpu.memref_slice %arg11[%mul3A_0, %dma_wait3A_15] : memref<10112x128xf32, #tpu.memory_space<vmem_shared>> -> memref<632x128xf32, #tpu.memory_space<vmem_shared>>
      tpu.wait_dma2 semaphore(%run_scoped3A : memref<!tpu.dma_semaphore, #tpu.memory_space<semaphore_mem>>) src(%dma_wait3A_16 : memref<632x128xf32, #tpu.memory_space<vmem_shared>>) dst(%dma_wait3A_14 : memref<632x128xf32, #tpu.memory_space<hbm>>)
      tpu.yield
    }) : () -> ()
    return
  }
}

#map = affine_map<(d0, d1) -> (0, 0)>
#map1 = affine_map<(d0, d1) -> (0, 0, 0)>
module attributes {stable_mosaic.version = 14 : i64} {
  func.func @_agg0_body(%arg0: i32, %arg1: i32, %arg2: memref<10000x128xf32, #tpu.memory_space<hbm>>, %arg3: memref<32x79x128xi32, #tpu.memory_space<hbm>>, %arg4: memref<32x79x128xi32, #tpu.memory_space<hbm>>, %arg5: memref<632x128xf32, #tpu.memory_space<hbm>>, %arg6: memref<128x128xf32, #tpu.memory_space<hbm>>, %arg7: memref<20224x128xf32, #tpu.memory_space<hbm>>, %arg8: memref<20224x128xf32, #tpu.memory_space<hbm>>, %arg9: memref<128xi32, #tpu.memory_space<vmem>>, %arg10: memref<128xi32, #tpu.memory_space<vmem>>, %arg11: memref<128x128xf32, #tpu.memory_space<vmem>>, %arg12: memref<128x128xf32, #tpu.memory_space<vmem>>, %arg13: memref<10112x128xf32, #tpu.memory_space<vmem_shared>>, %arg14: memref<!tpu.dma_semaphore, #tpu.memory_space<semaphore_mem>>) attributes {dimension_semantics = [#tpu.dimension_semantics<core_parallel>, #tpu.dimension_semantics<subcore_parallel>], iteration_bounds = array<i64: 2, 16>, scalar_prefetch = 0 : i64, scratch_operands = 6 : i64, tpu.core_type = #tpu.core_type<sc_vector_subcore>, window_params = [{transform_indices = #map}, {transform_indices = #map1}, {transform_indices = #map1}, {transform_indices = #map}, {transform_indices = #map}, {transform_indices = #map}, {transform_indices = #map}]} {
    %mul3A = arith.constant 16 : i32
    %mul3A_0 = arith.muli %arg0, %mul3A : i32
    %add3A = arith.addi %mul3A_0, %arg1 : i32
    %mul3A_1 = arith.constant 632 : i32
    %mul3A_2 = arith.muli %arg1, %mul3A_1 : i32
    "tpu.region"() ({
      %run_scoped3A = tpu.sem_alloc : memref<!tpu.dma_semaphore, #tpu.memory_space<semaphore_mem>>
      tpu.enqueue_dma source(%arg6 : memref<128x128xf32, #tpu.memory_space<hbm>>) target(%arg12 : memref<128x128xf32, #tpu.memory_space<vmem>>) target_semaphore(%run_scoped3A : memref<!tpu.dma_semaphore, #tpu.memory_space<semaphore_mem>>)
      tpu.wait_dma2 semaphore(%run_scoped3A : memref<!tpu.dma_semaphore, #tpu.memory_space<semaphore_mem>>) src(%arg6 : memref<128x128xf32, #tpu.memory_space<hbm>>) dst(%arg12 : memref<128x128xf32, #tpu.memory_space<vmem>>)
      tpu.yield
    }) : () -> ()
    "tpu.region"() ({
      %run_scoped3A = tpu.sem_alloc : memref<!tpu.dma_semaphore, #tpu.memory_space<semaphore_mem>>
      %dma_start3A = arith.constant 0 : i32
      %dma_start3A_23 = tpu.memref_slice %arg13[%mul3A_2, %dma_start3A] : memref<10112x128xf32, #tpu.memory_space<vmem_shared>> -> memref<632x128xf32, #tpu.memory_space<vmem_shared>>
      tpu.enqueue_dma source(%arg5 : memref<632x128xf32, #tpu.memory_space<hbm>>) target(%dma_start3A_23 : memref<632x128xf32, #tpu.memory_space<vmem_shared>>) target_semaphore(%run_scoped3A : memref<!tpu.dma_semaphore, #tpu.memory_space<semaphore_mem>>)
      %dma_wait3A = arith.constant 0 : i32
      %dma_wait3A_24 = tpu.memref_slice %arg13[%mul3A_2, %dma_wait3A] : memref<10112x128xf32, #tpu.memory_space<vmem_shared>> -> memref<632x128xf32, #tpu.memory_space<vmem_shared>>
      tpu.wait_dma2 semaphore(%run_scoped3A : memref<!tpu.dma_semaphore, #tpu.memory_space<semaphore_mem>>) src(%arg5 : memref<632x128xf32, #tpu.memory_space<hbm>>) dst(%dma_wait3A_24 : memref<632x128xf32, #tpu.memory_space<vmem_shared>>)
      tpu.yield
    }) : () -> ()
    %barrier3A = arith.constant 0 : index
    tpu.barrier barrier_id(%barrier3A)
    %scan3A = arith.constant 0 : i32
    %scan3A_3 = arith.constant 0 : i32
    %scan3A_4 = arith.constant 79 : i32
    %scan3A_5 = arith.addi %scan3A_3, %scan3A_4 : i32
    %scan3A_6 = arith.constant 1 : i32
    scf.for %scan3A_23 = %scan3A_3 to %scan3A_5 step %scan3A_6  : i32 {
      "tpu.region"() ({
        %run_scoped3A = tpu.sem_alloc : memref<!tpu.dma_semaphore, #tpu.memory_space<semaphore_mem>>
        %dma_start3A = arith.constant 0 : i32
        %dma_start3A_24 = tpu.memref_slice %arg4[%add3A, %scan3A_23, %dma_start3A] : memref<32x79x128xi32, #tpu.memory_space<hbm>> -> memref<1x1x128xi32, #tpu.memory_space<hbm>>
        %dma_start3A_25 = tpu.memref_squeeze %dma_start3A_24 : memref<1x1x128xi32, #tpu.memory_space<hbm>> -> memref<128xi32, #tpu.memory_space<hbm>>
        %dma_start3A_26 = arith.constant 0 : i32
        %dma_start3A_27 = tpu.memref_slice %arg4[%add3A, %scan3A_23, %dma_start3A_26] : memref<32x79x128xi32, #tpu.memory_space<hbm>> -> memref<1x1x128xi32, #tpu.memory_space<hbm>>
        %dma_start3A_28 = tpu.memref_squeeze %dma_start3A_27 : memref<1x1x128xi32, #tpu.memory_space<hbm>> -> memref<128xi32, #tpu.memory_space<hbm>>
        tpu.enqueue_dma source(%dma_start3A_28 : memref<128xi32, #tpu.memory_space<hbm>>) target(%arg10 : memref<128xi32, #tpu.memory_space<vmem>>) target_semaphore(%run_scoped3A : memref<!tpu.dma_semaphore, #tpu.memory_space<semaphore_mem>>)
        %dma_wait3A = arith.constant 0 : i32
        %dma_wait3A_29 = tpu.memref_slice %arg4[%add3A, %scan3A_23, %dma_wait3A] : memref<32x79x128xi32, #tpu.memory_space<hbm>> -> memref<1x1x128xi32, #tpu.memory_space<hbm>>
        %dma_wait3A_30 = tpu.memref_squeeze %dma_wait3A_29 : memref<1x1x128xi32, #tpu.memory_space<hbm>> -> memref<128xi32, #tpu.memory_space<hbm>>
        %dma_wait3A_31 = arith.constant 0 : i32
        %dma_wait3A_32 = tpu.memref_slice %arg4[%add3A, %scan3A_23, %dma_wait3A_31] : memref<32x79x128xi32, #tpu.memory_space<hbm>> -> memref<1x1x128xi32, #tpu.memory_space<hbm>>
        %dma_wait3A_33 = tpu.memref_squeeze %dma_wait3A_32 : memref<1x1x128xi32, #tpu.memory_space<hbm>> -> memref<128xi32, #tpu.memory_space<hbm>>
        tpu.wait_dma2 semaphore(%run_scoped3A : memref<!tpu.dma_semaphore, #tpu.memory_space<semaphore_mem>>) src(%dma_wait3A_33 : memref<128xi32, #tpu.memory_space<hbm>>) dst(%arg10 : memref<128xi32, #tpu.memory_space<vmem>>)
        tpu.yield
      }) : () -> ()
      "tpu.region"() ({
        %run_scoped3A = tpu.sem_alloc : memref<!tpu.dma_semaphore, #tpu.memory_space<semaphore_mem>>
        %dma_start3A = arith.constant 0 : i32
        %dma_start3A_24 = arith.constant 0 : i32
        %dma_start3A_25 = tpu.memref_slice %arg13[%dma_start3A, %dma_start3A_24] : memref<10112x128xf32, #tpu.memory_space<vmem_shared>> -> memref<10112x128xf32, #tpu.memory_space<vmem_shared>>
        tpu.enqueue_indirect_dma source(%arg12 : memref<128x128xf32, #tpu.memory_space<vmem>>) target(%dma_start3A_25 : memref<10112x128xf32, #tpu.memory_space<vmem_shared>>) offsets(%arg10 : memref<128xi32, #tpu.memory_space<vmem>>) semaphore(%run_scoped3A : memref<!tpu.dma_semaphore, #tpu.memory_space<semaphore_mem>>) {add = true}
        %dma_wait3A = arith.constant 0 : i32
        %dma_wait3A_26 = arith.constant 0 : i32
        %dma_wait3A_27 = tpu.memref_slice %arg13[%dma_wait3A, %dma_wait3A_26] : memref<10112x128xf32, #tpu.memory_space<vmem_shared>> -> memref<10112x128xf32, #tpu.memory_space<vmem_shared>>
        tpu.wait_indirect_dma semaphore(%run_scoped3A : memref<!tpu.dma_semaphore, #tpu.memory_space<semaphore_mem>>) src(%arg12 : memref<128x128xf32, #tpu.memory_space<vmem>>) dst(%dma_wait3A_27 : memref<10112x128xf32, #tpu.memory_space<vmem_shared>>)
        tpu.yield
      }) : () -> ()
    }
    %scan3A_7 = arith.constant 79 : i32
    %barrier3A_8 = arith.constant 0 : index
    tpu.barrier barrier_id(%barrier3A_8)
    %mul3A_9 = arith.constant 10112 : i32
    %mul3A_10 = arith.muli %arg0, %mul3A_9 : i32
    %add3A_11 = arith.addi %mul3A_10, %mul3A_2 : i32
    "tpu.region"() ({
      %run_scoped3A = tpu.sem_alloc : memref<!tpu.dma_semaphore, #tpu.memory_space<semaphore_mem>>
      %dma_start3A = arith.constant 0 : i32
      %dma_start3A_23 = tpu.memref_slice %arg8[%add3A_11, %dma_start3A] : memref<20224x128xf32, #tpu.memory_space<hbm>> -> memref<632x128xf32, #tpu.memory_space<hbm>>
      %dma_start3A_24 = arith.constant 0 : i32
      %dma_start3A_25 = tpu.memref_slice %arg13[%mul3A_2, %dma_start3A_24] : memref<10112x128xf32, #tpu.memory_space<vmem_shared>> -> memref<632x128xf32, #tpu.memory_space<vmem_shared>>
      tpu.enqueue_dma source(%dma_start3A_25 : memref<632x128xf32, #tpu.memory_space<vmem_shared>>) target(%dma_start3A_23 : memref<632x128xf32, #tpu.memory_space<hbm>>) target_semaphore(%run_scoped3A : memref<!tpu.dma_semaphore, #tpu.memory_space<semaphore_mem>>)
      %dma_wait3A = arith.constant 0 : i32
      %dma_wait3A_26 = tpu.memref_slice %arg8[%add3A_11, %dma_wait3A] : memref<20224x128xf32, #tpu.memory_space<hbm>> -> memref<632x128xf32, #tpu.memory_space<hbm>>
      %dma_wait3A_27 = arith.constant 0 : i32
      %dma_wait3A_28 = tpu.memref_slice %arg13[%mul3A_2, %dma_wait3A_27] : memref<10112x128xf32, #tpu.memory_space<vmem_shared>> -> memref<632x128xf32, #tpu.memory_space<vmem_shared>>
      tpu.wait_dma2 semaphore(%run_scoped3A : memref<!tpu.dma_semaphore, #tpu.memory_space<semaphore_mem>>) src(%dma_wait3A_28 : memref<632x128xf32, #tpu.memory_space<vmem_shared>>) dst(%dma_wait3A_26 : memref<632x128xf32, #tpu.memory_space<hbm>>)
      tpu.yield
    }) : () -> ()
    "tpu.region"() ({
      %run_scoped3A = tpu.sem_alloc : memref<!tpu.dma_semaphore, #tpu.memory_space<semaphore_mem>>
      %dma_start3A = arith.constant 0 : i32
      %dma_start3A_23 = tpu.memref_slice %arg13[%mul3A_2, %dma_start3A] : memref<10112x128xf32, #tpu.memory_space<vmem_shared>> -> memref<632x128xf32, #tpu.memory_space<vmem_shared>>
      tpu.enqueue_dma source(%arg5 : memref<632x128xf32, #tpu.memory_space<hbm>>) target(%dma_start3A_23 : memref<632x128xf32, #tpu.memory_space<vmem_shared>>) target_semaphore(%run_scoped3A : memref<!tpu.dma_semaphore, #tpu.memory_space<semaphore_mem>>)
      %dma_wait3A = arith.constant 0 : i32
      %dma_wait3A_24 = tpu.memref_slice %arg13[%mul3A_2, %dma_wait3A] : memref<10112x128xf32, #tpu.memory_space<vmem_shared>> -> memref<632x128xf32, #tpu.memory_space<vmem_shared>>
      tpu.wait_dma2 semaphore(%run_scoped3A : memref<!tpu.dma_semaphore, #tpu.memory_space<semaphore_mem>>) src(%arg5 : memref<632x128xf32, #tpu.memory_space<hbm>>) dst(%dma_wait3A_24 : memref<632x128xf32, #tpu.memory_space<vmem_shared>>)
      tpu.yield
    }) : () -> ()
    %barrier3A_12 = arith.constant 0 : index
    tpu.barrier barrier_id(%barrier3A_12)
    %scan3A_13 = arith.constant 0 : i32
    %scan3A_14 = arith.constant 0 : i32
    %scan3A_15 = arith.constant 79 : i32
    %scan3A_16 = arith.addi %scan3A_14, %scan3A_15 : i32
    %scan3A_17 = arith.constant 1 : i32
    scf.for %scan3A_23 = %scan3A_14 to %scan3A_16 step %scan3A_17  : i32 {
      "tpu.region"() ({
        %run_scoped3A = tpu.sem_alloc : memref<!tpu.dma_semaphore, #tpu.memory_space<semaphore_mem>>
        %dma_start3A_28 = arith.constant 0 : i32
        %dma_start3A_29 = tpu.memref_slice %arg3[%add3A, %scan3A_23, %dma_start3A_28] : memref<32x79x128xi32, #tpu.memory_space<hbm>> -> memref<1x1x128xi32, #tpu.memory_space<hbm>>
        %dma_start3A_30 = tpu.memref_squeeze %dma_start3A_29 : memref<1x1x128xi32, #tpu.memory_space<hbm>> -> memref<128xi32, #tpu.memory_space<hbm>>
        %dma_start3A_31 = arith.constant 0 : i32
        %dma_start3A_32 = tpu.memref_slice %arg3[%add3A, %scan3A_23, %dma_start3A_31] : memref<32x79x128xi32, #tpu.memory_space<hbm>> -> memref<1x1x128xi32, #tpu.memory_space<hbm>>
        %dma_start3A_33 = tpu.memref_squeeze %dma_start3A_32 : memref<1x1x128xi32, #tpu.memory_space<hbm>> -> memref<128xi32, #tpu.memory_space<hbm>>
        tpu.enqueue_dma source(%dma_start3A_33 : memref<128xi32, #tpu.memory_space<hbm>>) target(%arg9 : memref<128xi32, #tpu.memory_space<vmem>>) target_semaphore(%run_scoped3A : memref<!tpu.dma_semaphore, #tpu.memory_space<semaphore_mem>>)
        %dma_wait3A_34 = arith.constant 0 : i32
        %dma_wait3A_35 = tpu.memref_slice %arg3[%add3A, %scan3A_23, %dma_wait3A_34] : memref<32x79x128xi32, #tpu.memory_space<hbm>> -> memref<1x1x128xi32, #tpu.memory_space<hbm>>
        %dma_wait3A_36 = tpu.memref_squeeze %dma_wait3A_35 : memref<1x1x128xi32, #tpu.memory_space<hbm>> -> memref<128xi32, #tpu.memory_space<hbm>>
        %dma_wait3A_37 = arith.constant 0 : i32
        %dma_wait3A_38 = tpu.memref_slice %arg3[%add3A, %scan3A_23, %dma_wait3A_37] : memref<32x79x128xi32, #tpu.memory_space<hbm>> -> memref<1x1x128xi32, #tpu.memory_space<hbm>>
        %dma_wait3A_39 = tpu.memref_squeeze %dma_wait3A_38 : memref<1x1x128xi32, #tpu.memory_space<hbm>> -> memref<128xi32, #tpu.memory_space<hbm>>
        tpu.wait_dma2 semaphore(%run_scoped3A : memref<!tpu.dma_semaphore, #tpu.memory_space<semaphore_mem>>) src(%dma_wait3A_39 : memref<128xi32, #tpu.memory_space<hbm>>) dst(%arg9 : memref<128xi32, #tpu.memory_space<vmem>>)
        tpu.yield
      }) : () -> ()
      "tpu.region"() ({
        %run_scoped3A = tpu.sem_alloc : memref<!tpu.dma_semaphore, #tpu.memory_space<semaphore_mem>>
        %dma_start3A_28 = arith.constant 0 : i32
        %dma_start3A_29 = tpu.memref_slice %arg4[%add3A, %scan3A_23, %dma_start3A_28] : memref<32x79x128xi32, #tpu.memory_space<hbm>> -> memref<1x1x128xi32, #tpu.memory_space<hbm>>
        %dma_start3A_30 = tpu.memref_squeeze %dma_start3A_29 : memref<1x1x128xi32, #tpu.memory_space<hbm>> -> memref<128xi32, #tpu.memory_space<hbm>>
        %dma_start3A_31 = arith.constant 0 : i32
        %dma_start3A_32 = tpu.memref_slice %arg4[%add3A, %scan3A_23, %dma_start3A_31] : memref<32x79x128xi32, #tpu.memory_space<hbm>> -> memref<1x1x128xi32, #tpu.memory_space<hbm>>
        %dma_start3A_33 = tpu.memref_squeeze %dma_start3A_32 : memref<1x1x128xi32, #tpu.memory_space<hbm>> -> memref<128xi32, #tpu.memory_space<hbm>>
        tpu.enqueue_dma source(%dma_start3A_33 : memref<128xi32, #tpu.memory_space<hbm>>) target(%arg10 : memref<128xi32, #tpu.memory_space<vmem>>) target_semaphore(%run_scoped3A : memref<!tpu.dma_semaphore, #tpu.memory_space<semaphore_mem>>)
        %dma_wait3A_34 = arith.constant 0 : i32
        %dma_wait3A_35 = tpu.memref_slice %arg4[%add3A, %scan3A_23, %dma_wait3A_34] : memref<32x79x128xi32, #tpu.memory_space<hbm>> -> memref<1x1x128xi32, #tpu.memory_space<hbm>>
        %dma_wait3A_36 = tpu.memref_squeeze %dma_wait3A_35 : memref<1x1x128xi32, #tpu.memory_space<hbm>> -> memref<128xi32, #tpu.memory_space<hbm>>
        %dma_wait3A_37 = arith.constant 0 : i32
        %dma_wait3A_38 = tpu.memref_slice %arg4[%add3A, %scan3A_23, %dma_wait3A_37] : memref<32x79x128xi32, #tpu.memory_space<hbm>> -> memref<1x1x128xi32, #tpu.memory_space<hbm>>
        %dma_wait3A_39 = tpu.memref_squeeze %dma_wait3A_38 : memref<1x1x128xi32, #tpu.memory_space<hbm>> -> memref<128xi32, #tpu.memory_space<hbm>>
        tpu.wait_dma2 semaphore(%run_scoped3A : memref<!tpu.dma_semaphore, #tpu.memory_space<semaphore_mem>>) src(%dma_wait3A_39 : memref<128xi32, #tpu.memory_space<hbm>>) dst(%arg10 : memref<128xi32, #tpu.memory_space<vmem>>)
        tpu.yield
      }) : () -> ()
      %dma_start3A = arith.constant 0 : i32
      %dma_start3A_24 = arith.constant 0 : i32
      %dma_start3A_25 = tpu.memref_slice %arg2[%dma_start3A, %dma_start3A_24] : memref<10000x128xf32, #tpu.memory_space<hbm>> -> memref<10000x128xf32, #tpu.memory_space<hbm>>
      tpu.enqueue_indirect_dma source(%dma_start3A_25 : memref<10000x128xf32, #tpu.memory_space<hbm>>) target(%arg11 : memref<128x128xf32, #tpu.memory_space<vmem>>) offsets(%arg9 : memref<128xi32, #tpu.memory_space<vmem>>) semaphore(%arg14 : memref<!tpu.dma_semaphore, #tpu.memory_space<semaphore_mem>>)
      %dma_wait3A = arith.constant 0 : i32
      %dma_wait3A_26 = arith.constant 0 : i32
      %dma_wait3A_27 = tpu.memref_slice %arg2[%dma_wait3A, %dma_wait3A_26] : memref<10000x128xf32, #tpu.memory_space<hbm>> -> memref<10000x128xf32, #tpu.memory_space<hbm>>
      tpu.wait_indirect_dma semaphore(%arg14 : memref<!tpu.dma_semaphore, #tpu.memory_space<semaphore_mem>>) src(%dma_wait3A_27 : memref<10000x128xf32, #tpu.memory_space<hbm>>) dst(%arg11 : memref<128x128xf32, #tpu.memory_space<vmem>>)
      "tpu.region"() ({
        %run_scoped3A = tpu.sem_alloc : memref<!tpu.dma_semaphore, #tpu.memory_space<semaphore_mem>>
        %dma_start3A_28 = arith.constant 0 : i32
        %dma_start3A_29 = arith.constant 0 : i32
        %dma_start3A_30 = tpu.memref_slice %arg13[%dma_start3A_28, %dma_start3A_29] : memref<10112x128xf32, #tpu.memory_space<vmem_shared>> -> memref<10112x128xf32, #tpu.memory_space<vmem_shared>>
        tpu.enqueue_indirect_dma source(%arg11 : memref<128x128xf32, #tpu.memory_space<vmem>>) target(%dma_start3A_30 : memref<10112x128xf32, #tpu.memory_space<vmem_shared>>) offsets(%arg10 : memref<128xi32, #tpu.memory_space<vmem>>) semaphore(%run_scoped3A : memref<!tpu.dma_semaphore, #tpu.memory_space<semaphore_mem>>) {add = true}
        %dma_wait3A_31 = arith.constant 0 : i32
        %dma_wait3A_32 = arith.constant 0 : i32
        %dma_wait3A_33 = tpu.memref_slice %arg13[%dma_wait3A_31, %dma_wait3A_32] : memref<10112x128xf32, #tpu.memory_space<vmem_shared>> -> memref<10112x128xf32, #tpu.memory_space<vmem_shared>>
        tpu.wait_indirect_dma semaphore(%run_scoped3A : memref<!tpu.dma_semaphore, #tpu.memory_space<semaphore_mem>>) src(%arg11 : memref<128x128xf32, #tpu.memory_space<vmem>>) dst(%dma_wait3A_33 : memref<10112x128xf32, #tpu.memory_space<vmem_shared>>)
        tpu.yield
      }) : () -> ()
    }
    %scan3A_18 = arith.constant 79 : i32
    %barrier3A_19 = arith.constant 0 : index
    tpu.barrier barrier_id(%barrier3A_19)
    %mul3A_20 = arith.constant 10112 : i32
    %mul3A_21 = arith.muli %arg0, %mul3A_20 : i32
    %add3A_22 = arith.addi %mul3A_21, %mul3A_2 : i32
    "tpu.region"() ({
      %run_scoped3A = tpu.sem_alloc : memref<!tpu.dma_semaphore, #tpu.memory_space<semaphore_mem>>
      %dma_start3A = arith.constant 0 : i32
      %dma_start3A_23 = tpu.memref_slice %arg7[%add3A_22, %dma_start3A] : memref<20224x128xf32, #tpu.memory_space<hbm>> -> memref<632x128xf32, #tpu.memory_space<hbm>>
      %dma_start3A_24 = arith.constant 0 : i32
      %dma_start3A_25 = tpu.memref_slice %arg13[%mul3A_2, %dma_start3A_24] : memref<10112x128xf32, #tpu.memory_space<vmem_shared>> -> memref<632x128xf32, #tpu.memory_space<vmem_shared>>
      tpu.enqueue_dma source(%dma_start3A_25 : memref<632x128xf32, #tpu.memory_space<vmem_shared>>) target(%dma_start3A_23 : memref<632x128xf32, #tpu.memory_space<hbm>>) target_semaphore(%run_scoped3A : memref<!tpu.dma_semaphore, #tpu.memory_space<semaphore_mem>>)
      %dma_wait3A = arith.constant 0 : i32
      %dma_wait3A_26 = tpu.memref_slice %arg7[%add3A_22, %dma_wait3A] : memref<20224x128xf32, #tpu.memory_space<hbm>> -> memref<632x128xf32, #tpu.memory_space<hbm>>
      %dma_wait3A_27 = arith.constant 0 : i32
      %dma_wait3A_28 = tpu.memref_slice %arg13[%mul3A_2, %dma_wait3A_27] : memref<10112x128xf32, #tpu.memory_space<vmem_shared>> -> memref<632x128xf32, #tpu.memory_space<vmem_shared>>
      tpu.wait_dma2 semaphore(%run_scoped3A : memref<!tpu.dma_semaphore, #tpu.memory_space<semaphore_mem>>) src(%dma_wait3A_28 : memref<632x128xf32, #tpu.memory_space<vmem_shared>>) dst(%dma_wait3A_26 : memref<632x128xf32, #tpu.memory_space<hbm>>)
      tpu.yield
    }) : () -> ()
    return
  }
}

#map = affine_map<(d0, d1) -> (0, 0)>
#map1 = affine_map<(d0, d1) -> (0, 0, 0)>
module attributes {stable_mosaic.version = 14 : i64} {
  func.func @_agg12_body(%arg0: i32, %arg1: i32, %arg2: memref<20000x128xf32, #tpu.memory_space<hbm>>, %arg3: memref<16x157x128xi32, #tpu.memory_space<hbm>>, %arg4: memref<16x157x128xi32, #tpu.memory_space<hbm>>, %arg5: memref<632x128xf32, #tpu.memory_space<hbm>>, %arg6: memref<20224x128xf32, #tpu.memory_space<hbm>>, %arg7: memref<128xi32, #tpu.memory_space<vmem>>, %arg8: memref<128xi32, #tpu.memory_space<vmem>>, %arg9: memref<128xi32, #tpu.memory_space<vmem>>, %arg10: memref<128x128xf32, #tpu.memory_space<vmem>>, %arg11: memref<10112x128xf32, #tpu.memory_space<vmem_shared>>, %arg12: memref<!tpu.dma_semaphore, #tpu.memory_space<semaphore_mem>>) attributes {dimension_semantics = [#tpu.dimension_semantics<core_parallel>, #tpu.dimension_semantics<subcore_parallel>], iteration_bounds = array<i64: 2, 16>, scalar_prefetch = 0 : i64, scratch_operands = 6 : i64, tpu.core_type = #tpu.core_type<sc_vector_subcore>, window_params = [{transform_indices = #map}, {transform_indices = #map1}, {transform_indices = #map1}, {transform_indices = #map}, {transform_indices = #map}]} {
    %mul3A = arith.constant 632 : i32
    %mul3A_0 = arith.muli %arg1, %mul3A : i32
    %mul3A_1 = arith.constant 10000 : i32
    %mul3A_2 = arith.muli %arg0, %mul3A_1 : i32
    "tpu.region"() ({
      %run_scoped3A = tpu.sem_alloc : memref<!tpu.dma_semaphore, #tpu.memory_space<semaphore_mem>>
      %dma_start3A = arith.constant 0 : i32
      %dma_start3A_11 = tpu.memref_slice %arg11[%mul3A_0, %dma_start3A] : memref<10112x128xf32, #tpu.memory_space<vmem_shared>> -> memref<632x128xf32, #tpu.memory_space<vmem_shared>>
      tpu.enqueue_dma source(%arg5 : memref<632x128xf32, #tpu.memory_space<hbm>>) target(%dma_start3A_11 : memref<632x128xf32, #tpu.memory_space<vmem_shared>>) target_semaphore(%run_scoped3A : memref<!tpu.dma_semaphore, #tpu.memory_space<semaphore_mem>>)
      %dma_wait3A = arith.constant 0 : i32
      %dma_wait3A_12 = tpu.memref_slice %arg11[%mul3A_0, %dma_wait3A] : memref<10112x128xf32, #tpu.memory_space<vmem_shared>> -> memref<632x128xf32, #tpu.memory_space<vmem_shared>>
      tpu.wait_dma2 semaphore(%run_scoped3A : memref<!tpu.dma_semaphore, #tpu.memory_space<semaphore_mem>>) src(%arg5 : memref<632x128xf32, #tpu.memory_space<hbm>>) dst(%dma_wait3A_12 : memref<632x128xf32, #tpu.memory_space<vmem_shared>>)
      tpu.yield
    }) : () -> ()
    %barrier3A = arith.constant 0 : index
    tpu.barrier barrier_id(%barrier3A)
    %scan3A = arith.constant 0 : i32
    %scan3A_3 = arith.constant 0 : i32
    %scan3A_4 = arith.constant 157 : i32
    %scan3A_5 = arith.addi %scan3A_3, %scan3A_4 : i32
    %scan3A_6 = arith.constant 1 : i32
    scf.for %scan3A_11 = %scan3A_3 to %scan3A_5 step %scan3A_6  : i32 {
      "tpu.region"() ({
        %run_scoped3A = tpu.sem_alloc : memref<!tpu.dma_semaphore, #tpu.memory_space<semaphore_mem>>
        %dma_start3A_86 = arith.constant 0 : i32
        %dma_start3A_87 = tpu.memref_slice %arg3[%arg1, %scan3A_11, %dma_start3A_86] : memref<16x157x128xi32, #tpu.memory_space<hbm>> -> memref<1x1x128xi32, #tpu.memory_space<hbm>>
        %dma_start3A_88 = tpu.memref_squeeze %dma_start3A_87 : memref<1x1x128xi32, #tpu.memory_space<hbm>> -> memref<128xi32, #tpu.memory_space<hbm>>
        %dma_start3A_89 = arith.constant 0 : i32
        %dma_start3A_90 = tpu.memref_slice %arg3[%arg1, %scan3A_11, %dma_start3A_89] : memref<16x157x128xi32, #tpu.memory_space<hbm>> -> memref<1x1x128xi32, #tpu.memory_space<hbm>>
        %dma_start3A_91 = tpu.memref_squeeze %dma_start3A_90 : memref<1x1x128xi32, #tpu.memory_space<hbm>> -> memref<128xi32, #tpu.memory_space<hbm>>
        tpu.enqueue_dma source(%dma_start3A_91 : memref<128xi32, #tpu.memory_space<hbm>>) target(%arg7 : memref<128xi32, #tpu.memory_space<vmem>>) target_semaphore(%run_scoped3A : memref<!tpu.dma_semaphore, #tpu.memory_space<semaphore_mem>>)
        %dma_wait3A_92 = arith.constant 0 : i32
        %dma_wait3A_93 = tpu.memref_slice %arg3[%arg1, %scan3A_11, %dma_wait3A_92] : memref<16x157x128xi32, #tpu.memory_space<hbm>> -> memref<1x1x128xi32, #tpu.memory_space<hbm>>
        %dma_wait3A_94 = tpu.memref_squeeze %dma_wait3A_93 : memref<1x1x128xi32, #tpu.memory_space<hbm>> -> memref<128xi32, #tpu.memory_space<hbm>>
        %dma_wait3A_95 = arith.constant 0 : i32
        %dma_wait3A_96 = tpu.memref_slice %arg3[%arg1, %scan3A_11, %dma_wait3A_95] : memref<16x157x128xi32, #tpu.memory_space<hbm>> -> memref<1x1x128xi32, #tpu.memory_space<hbm>>
        %dma_wait3A_97 = tpu.memref_squeeze %dma_wait3A_96 : memref<1x1x128xi32, #tpu.memory_space<hbm>> -> memref<128xi32, #tpu.memory_space<hbm>>
        tpu.wait_dma2 semaphore(%run_scoped3A : memref<!tpu.dma_semaphore, #tpu.memory_space<semaphore_mem>>) src(%dma_wait3A_97 : memref<128xi32, #tpu.memory_space<hbm>>) dst(%arg7 : memref<128xi32, #tpu.memory_space<vmem>>)
        tpu.yield
      }) : () -> ()
      "tpu.region"() ({
        %run_scoped3A = tpu.sem_alloc : memref<!tpu.dma_semaphore, #tpu.memory_space<semaphore_mem>>
        %dma_start3A_86 = arith.constant 0 : i32
        %dma_start3A_87 = tpu.memref_slice %arg4[%arg1, %scan3A_11, %dma_start3A_86] : memref<16x157x128xi32, #tpu.memory_space<hbm>> -> memref<1x1x128xi32, #tpu.memory_space<hbm>>
        %dma_start3A_88 = tpu.memref_squeeze %dma_start3A_87 : memref<1x1x128xi32, #tpu.memory_space<hbm>> -> memref<128xi32, #tpu.memory_space<hbm>>
        %dma_start3A_89 = arith.constant 0 : i32
        %dma_start3A_90 = tpu.memref_slice %arg4[%arg1, %scan3A_11, %dma_start3A_89] : memref<16x157x128xi32, #tpu.memory_space<hbm>> -> memref<1x1x128xi32, #tpu.memory_space<hbm>>
        %dma_start3A_91 = tpu.memref_squeeze %dma_start3A_90 : memref<1x1x128xi32, #tpu.memory_space<hbm>> -> memref<128xi32, #tpu.memory_space<hbm>>
        tpu.enqueue_dma source(%dma_start3A_91 : memref<128xi32, #tpu.memory_space<hbm>>) target(%arg9 : memref<128xi32, #tpu.memory_space<vmem>>) target_semaphore(%run_scoped3A : memref<!tpu.dma_semaphore, #tpu.memory_space<semaphore_mem>>)
        %dma_wait3A_92 = arith.constant 0 : i32
        %dma_wait3A_93 = tpu.memref_slice %arg4[%arg1, %scan3A_11, %dma_wait3A_92] : memref<16x157x128xi32, #tpu.memory_space<hbm>> -> memref<1x1x128xi32, #tpu.memory_space<hbm>>
        %dma_wait3A_94 = tpu.memref_squeeze %dma_wait3A_93 : memref<1x1x128xi32, #tpu.memory_space<hbm>> -> memref<128xi32, #tpu.memory_space<hbm>>
        %dma_wait3A_95 = arith.constant 0 : i32
        %dma_wait3A_96 = tpu.memref_slice %arg4[%arg1, %scan3A_11, %dma_wait3A_95] : memref<16x157x128xi32, #tpu.memory_space<hbm>> -> memref<1x1x128xi32, #tpu.memory_space<hbm>>
        %dma_wait3A_97 = tpu.memref_squeeze %dma_wait3A_96 : memref<1x1x128xi32, #tpu.memory_space<hbm>> -> memref<128xi32, #tpu.memory_space<hbm>>
        tpu.wait_dma2 semaphore(%run_scoped3A : memref<!tpu.dma_semaphore, #tpu.memory_space<semaphore_mem>>) src(%dma_wait3A_97 : memref<128xi32, #tpu.memory_space<hbm>>) dst(%arg9 : memref<128xi32, #tpu.memory_space<vmem>>)
        tpu.yield
      }) : () -> ()
      %get3A = arith.constant 0 : index
      %get3A_12 = tpu.vector_load %arg7[%get3A] {strides = array<i32>} : memref<128xi32, #tpu.memory_space<vmem>>, vector<16xi32>,
      %get3A_13 = vector.shape_cast %get3A_12 : vector<16xi32> to vector<16xi32>
      %add3A_14 = vector.broadcast %mul3A_2 : i32 to vector<16xi32>
      %add3A_15 = arith.addi %get3A_13, %add3A_14 : vector<16xi32>
      %swap3A = arith.constant 0 : index
      %swap3A_16 = tpu.vector_load %arg8[%swap3A] {strides = array<i32>} : memref<128xi32, #tpu.memory_space<vmem>>, vector<16xi32>,
      %swap3A_17 = vector.shape_cast %swap3A_16 : vector<16xi32> to vector<16xi32>
      %swap3A_18 = vector.shape_cast %add3A_15 : vector<16xi32> to vector<16xi32>
      tpu.vector_store %arg8[%swap3A], %swap3A_18 {strides = array<i32>} : memref<128xi32, #tpu.memory_space<vmem>>, vector<16xi32>,
      %get3A_19 = arith.constant 16 : index
      %get3A_20 = tpu.vector_load %arg7[%get3A_19] {strides = array<i32>} : memref<128xi32, #tpu.memory_space<vmem>>, vector<16xi32>,
      %get3A_21 = vector.shape_cast %get3A_20 : vector<16xi32> to vector<16xi32>
      %add3A_22 = vector.broadcast %mul3A_2 : i32 to vector<16xi32>
      %add3A_23 = arith.addi %get3A_21, %add3A_22 : vector<16xi32>
      %swap3A_24 = arith.constant 16 : index
      %swap3A_25 = tpu.vector_load %arg8[%swap3A_24] {strides = array<i32>} : memref<128xi32, #tpu.memory_space<vmem>>, vector<16xi32>,
      %swap3A_26 = vector.shape_cast %swap3A_25 : vector<16xi32> to vector<16xi32>
      %swap3A_27 = vector.shape_cast %add3A_23 : vector<16xi32> to vector<16xi32>
      tpu.vector_store %arg8[%swap3A_24], %swap3A_27 {strides = array<i32>} : memref<128xi32, #tpu.memory_space<vmem>>, vector<16xi32>,
      %get3A_28 = arith.constant 32 : index
      %get3A_29 = tpu.vector_load %arg7[%get3A_28] {strides = array<i32>} : memref<128xi32, #tpu.memory_space<vmem>>, vector<16xi32>,
      %get3A_30 = vector.shape_cast %get3A_29 : vector<16xi32> to vector<16xi32>
      %add3A_31 = vector.broadcast %mul3A_2 : i32 to vector<16xi32>
      %add3A_32 = arith.addi %get3A_30, %add3A_31 : vector<16xi32>
      %swap3A_33 = arith.constant 32 : index
      %swap3A_34 = tpu.vector_load %arg8[%swap3A_33] {strides = array<i32>} : memref<128xi32, #tpu.memory_space<vmem>>, vector<16xi32>,
      %swap3A_35 = vector.shape_cast %swap3A_34 : vector<16xi32> to vector<16xi32>
      %swap3A_36 = vector.shape_cast %add3A_32 : vector<16xi32> to vector<16xi32>
      tpu.vector_store %arg8[%swap3A_33], %swap3A_36 {strides = array<i32>} : memref<128xi32, #tpu.memory_space<vmem>>, vector<16xi32>,
      %get3A_37 = arith.constant 48 : index
      %get3A_38 = tpu.vector_load %arg7[%get3A_37] {strides = array<i32>} : memref<128xi32, #tpu.memory_space<vmem>>, vector<16xi32>,
      %get3A_39 = vector.shape_cast %get3A_38 : vector<16xi32> to vector<16xi32>
      %add3A_40 = vector.broadcast %mul3A_2 : i32 to vector<16xi32>
      %add3A_41 = arith.addi %get3A_39, %add3A_40 : vector<16xi32>
      %swap3A_42 = arith.constant 48 : index
      %swap3A_43 = tpu.vector_load %arg8[%swap3A_42] {strides = array<i32>} : memref<128xi32, #tpu.memory_space<vmem>>, vector<16xi32>,
      %swap3A_44 = vector.shape_cast %swap3A_43 : vector<16xi32> to vector<16xi32>
      %swap3A_45 = vector.shape_cast %add3A_41 : vector<16xi32> to vector<16xi32>
      tpu.vector_store %arg8[%swap3A_42], %swap3A_45 {strides = array<i32>} : memref<128xi32, #tpu.memory_space<vmem>>, vector<16xi32>,
      %get3A_46 = arith.constant 64 : index
      %get3A_47 = tpu.vector_load %arg7[%get3A_46] {strides = array<i32>} : memref<128xi32, #tpu.memory_space<vmem>>, vector<16xi32>,
      %get3A_48 = vector.shape_cast %get3A_47 : vector<16xi32> to vector<16xi32>
      %add3A_49 = vector.broadcast %mul3A_2 : i32 to vector<16xi32>
      %add3A_50 = arith.addi %get3A_48, %add3A_49 : vector<16xi32>
      %swap3A_51 = arith.constant 64 : index
      %swap3A_52 = tpu.vector_load %arg8[%swap3A_51] {strides = array<i32>} : memref<128xi32, #tpu.memory_space<vmem>>, vector<16xi32>,
      %swap3A_53 = vector.shape_cast %swap3A_52 : vector<16xi32> to vector<16xi32>
      %swap3A_54 = vector.shape_cast %add3A_50 : vector<16xi32> to vector<16xi32>
      tpu.vector_store %arg8[%swap3A_51], %swap3A_54 {strides = array<i32>} : memref<128xi32, #tpu.memory_space<vmem>>, vector<16xi32>,
      %get3A_55 = arith.constant 80 : index
      %get3A_56 = tpu.vector_load %arg7[%get3A_55] {strides = array<i32>} : memref<128xi32, #tpu.memory_space<vmem>>, vector<16xi32>,
      %get3A_57 = vector.shape_cast %get3A_56 : vector<16xi32> to vector<16xi32>
      %add3A_58 = vector.broadcast %mul3A_2 : i32 to vector<16xi32>
      %add3A_59 = arith.addi %get3A_57, %add3A_58 : vector<16xi32>
      %swap3A_60 = arith.constant 80 : index
      %swap3A_61 = tpu.vector_load %arg8[%swap3A_60] {strides = array<i32>} : memref<128xi32, #tpu.memory_space<vmem>>, vector<16xi32>,
      %swap3A_62 = vector.shape_cast %swap3A_61 : vector<16xi32> to vector<16xi32>
      %swap3A_63 = vector.shape_cast %add3A_59 : vector<16xi32> to vector<16xi32>
      tpu.vector_store %arg8[%swap3A_60], %swap3A_63 {strides = array<i32>} : memref<128xi32, #tpu.memory_space<vmem>>, vector<16xi32>,
      %get3A_64 = arith.constant 96 : index
      %get3A_65 = tpu.vector_load %arg7[%get3A_64] {strides = array<i32>} : memref<128xi32, #tpu.memory_space<vmem>>, vector<16xi32>,
      %get3A_66 = vector.shape_cast %get3A_65 : vector<16xi32> to vector<16xi32>
      %add3A_67 = vector.broadcast %mul3A_2 : i32 to vector<16xi32>
      %add3A_68 = arith.addi %get3A_66, %add3A_67 : vector<16xi32>
      %swap3A_69 = arith.constant 96 : index
      %swap3A_70 = tpu.vector_load %arg8[%swap3A_69] {strides = array<i32>} : memref<128xi32, #tpu.memory_space<vmem>>, vector<16xi32>,
      %swap3A_71 = vector.shape_cast %swap3A_70 : vector<16xi32> to vector<16xi32>
      %swap3A_72 = vector.shape_cast %add3A_68 : vector<16xi32> to vector<16xi32>
      tpu.vector_store %arg8[%swap3A_69], %swap3A_72 {strides = array<i32>} : memref<128xi32, #tpu.memory_space<vmem>>, vector<16xi32>,
      %get3A_73 = arith.constant 112 : index
      %get3A_74 = tpu.vector_load %arg7[%get3A_73] {strides = array<i32>} : memref<128xi32, #tpu.memory_space<vmem>>, vector<16xi32>,
      %get3A_75 = vector.shape_cast %get3A_74 : vector<16xi32> to vector<16xi32>
      %add3A_76 = vector.broadcast %mul3A_2 : i32 to vector<16xi32>
      %add3A_77 = arith.addi %get3A_75, %add3A_76 : vector<16xi32>
      %swap3A_78 = arith.constant 112 : index
      %swap3A_79 = tpu.vector_load %arg8[%swap3A_78] {strides = array<i32>} : memref<128xi32, #tpu.memory_space<vmem>>, vector<16xi32>,
      %swap3A_80 = vector.shape_cast %swap3A_79 : vector<16xi32> to vector<16xi32>
      %swap3A_81 = vector.shape_cast %add3A_77 : vector<16xi32> to vector<16xi32>
      tpu.vector_store %arg8[%swap3A_78], %swap3A_81 {strides = array<i32>} : memref<128xi32, #tpu.memory_space<vmem>>, vector<16xi32>,
      %dma_start3A = arith.constant 0 : i32
      %dma_start3A_82 = arith.constant 0 : i32
      %dma_start3A_83 = tpu.memref_slice %arg2[%dma_start3A, %dma_start3A_82] : memref<20000x128xf32, #tpu.memory_space<hbm>> -> memref<20000x128xf32, #tpu.memory_space<hbm>>
      tpu.enqueue_indirect_dma source(%dma_start3A_83 : memref<20000x128xf32, #tpu.memory_space<hbm>>) target(%arg10 : memref<128x128xf32, #tpu.memory_space<vmem>>) offsets(%arg8 : memref<128xi32, #tpu.memory_space<vmem>>) semaphore(%arg12 : memref<!tpu.dma_semaphore, #tpu.memory_space<semaphore_mem>>)
      %dma_wait3A = arith.constant 0 : i32
      %dma_wait3A_84 = arith.constant 0 : i32
      %dma_wait3A_85 = tpu.memref_slice %arg2[%dma_wait3A, %dma_wait3A_84] : memref<20000x128xf32, #tpu.memory_space<hbm>> -> memref<20000x128xf32, #tpu.memory_space<hbm>>
      tpu.wait_indirect_dma semaphore(%arg12 : memref<!tpu.dma_semaphore, #tpu.memory_space<semaphore_mem>>) src(%dma_wait3A_85 : memref<20000x128xf32, #tpu.memory_space<hbm>>) dst(%arg10 : memref<128x128xf32, #tpu.memory_space<vmem>>)
      "tpu.region"() ({
        %run_scoped3A = tpu.sem_alloc : memref<!tpu.dma_semaphore, #tpu.memory_space<semaphore_mem>>
        %dma_start3A_86 = arith.constant 0 : i32
        %dma_start3A_87 = arith.constant 0 : i32
        %dma_start3A_88 = tpu.memref_slice %arg11[%dma_start3A_86, %dma_start3A_87] : memref<10112x128xf32, #tpu.memory_space<vmem_shared>> -> memref<10112x128xf32, #tpu.memory_space<vmem_shared>>
        tpu.enqueue_indirect_dma source(%arg10 : memref<128x128xf32, #tpu.memory_space<vmem>>) target(%dma_start3A_88 : memref<10112x128xf32, #tpu.memory_space<vmem_shared>>) offsets(%arg9 : memref<128xi32, #tpu.memory_space<vmem>>) semaphore(%run_scoped3A : memref<!tpu.dma_semaphore, #tpu.memory_space<semaphore_mem>>) {add = true}
        %dma_wait3A_89 = arith.constant 0 : i32
        %dma_wait3A_90 = arith.constant 0 : i32
        %dma_wait3A_91 = tpu.memref_slice %arg11[%dma_wait3A_89, %dma_wait3A_90] : memref<10112x128xf32, #tpu.memory_space<vmem_shared>> -> memref<10112x128xf32, #tpu.memory_space<vmem_shared>>
        tpu.wait_indirect_dma semaphore(%run_scoped3A : memref<!tpu.dma_semaphore, #tpu.memory_space<semaphore_mem>>) src(%arg10 : memref<128x128xf32, #tpu.memory_space<vmem>>) dst(%dma_wait3A_91 : memref<10112x128xf32, #tpu.memory_space<vmem_shared>>)
        tpu.yield
      }) : () -> ()
    }
    %scan3A_7 = arith.constant 157 : i32
    %barrier3A_8 = arith.constant 0 : index
    tpu.barrier barrier_id(%barrier3A_8)
    %mul3A_9 = arith.constant 10112 : i32
    %mul3A_10 = arith.muli %arg0, %mul3A_9 : i32
    %add3A = arith.addi %mul3A_10, %mul3A_0 : i32
    "tpu.region"() ({
      %run_scoped3A = tpu.sem_alloc : memref<!tpu.dma_semaphore, #tpu.memory_space<semaphore_mem>>
      %dma_start3A = arith.constant 0 : i32
      %dma_start3A_11 = tpu.memref_slice %arg6[%add3A, %dma_start3A] : memref<20224x128xf32, #tpu.memory_space<hbm>> -> memref<632x128xf32, #tpu.memory_space<hbm>>
      %dma_start3A_12 = arith.constant 0 : i32
      %dma_start3A_13 = tpu.memref_slice %arg11[%mul3A_0, %dma_start3A_12] : memref<10112x128xf32, #tpu.memory_space<vmem_shared>> -> memref<632x128xf32, #tpu.memory_space<vmem_shared>>
      tpu.enqueue_dma source(%dma_start3A_13 : memref<632x128xf32, #tpu.memory_space<vmem_shared>>) target(%dma_start3A_11 : memref<632x128xf32, #tpu.memory_space<hbm>>) target_semaphore(%run_scoped3A : memref<!tpu.dma_semaphore, #tpu.memory_space<semaphore_mem>>)
      %dma_wait3A = arith.constant 0 : i32
      %dma_wait3A_14 = tpu.memref_slice %arg6[%add3A, %dma_wait3A] : memref<20224x128xf32, #tpu.memory_space<hbm>> -> memref<632x128xf32, #tpu.memory_space<hbm>>
      %dma_wait3A_15 = arith.constant 0 : i32
      %dma_wait3A_16 = tpu.memref_slice %arg11[%mul3A_0, %dma_wait3A_15] : memref<10112x128xf32, #tpu.memory_space<vmem_shared>> -> memref<632x128xf32, #tpu.memory_space<vmem_shared>>
      tpu.wait_dma2 semaphore(%run_scoped3A : memref<!tpu.dma_semaphore, #tpu.memory_space<semaphore_mem>>) src(%dma_wait3A_16 : memref<632x128xf32, #tpu.memory_space<vmem_shared>>) dst(%dma_wait3A_14 : memref<632x128xf32, #tpu.memory_space<hbm>>)
      tpu.yield
    }) : () -> ()
    return
  }
}

module attributes {stable_mosaic.version = 14 : i64} {
  func.func @_dense0_body(%arg0: i32, %arg1: memref<2x1000x128xf32, #tpu.memory_space<vmem>>, %arg2: memref<2x1000x128xf32, #tpu.memory_space<vmem>>, %arg3: memref<1000x128xf32, #tpu.memory_space<vmem>>, %arg4: memref<128x256xf32, #tpu.memory_space<vmem>>, %arg5: memref<128x256xf32, #tpu.memory_space<vmem>>, %arg6: memref<5x256xf32, #tpu.memory_space<vmem>>, %arg7: memref<2x1000x128xf32, #tpu.memory_space<vmem>>) attributes {dimension_semantics = [#tpu.dimension_semantics<arbitrary>], iteration_bounds = array<i64: 10>, scalar_prefetch = 0 : i64, scratch_operands = 0 : i64, tpu.core_type = #tpu.core_type<tc>, window_params = [{transform_indices = @transform_0, window_bounds = array<i64: 2, 1000, 128>}, {transform_indices = @transform_1, window_bounds = array<i64: 2, 1000, 128>}, {transform_indices = @transform_2, window_bounds = array<i64: 1000, 128>}, {pipeline_mode = #tpu.pipeline_mode<synchronous>, transform_indices = @transform_3, window_bounds = array<i64: 128, 256>}, {pipeline_mode = #tpu.pipeline_mode<synchronous>, transform_indices = @transform_4, window_bounds = array<i64: 128, 256>}, {pipeline_mode = #tpu.pipeline_mode<synchronous>, transform_indices = @transform_5, window_bounds = array<i64: 5, 256>}, {transform_indices = @transform_6, window_bounds = array<i64: 2, 1000, 128>}]} {
    %get3A = arith.constant 0 : index
    %get3A_0 = arith.constant 0 : index
    %get3A_1 = arith.constant 0 : index
    %get3A_2 = vector.load %arg1[%get3A, %get3A_0, %get3A_1] : memref<2x1000x128xf32, #tpu.memory_space<vmem>>, vector<2x1000x128xf32>
    %slice3A = vector.extract_strided_slice %get3A_2 {offsets = [0, 0, 0], sizes = [1, 1000, 128], strides = [1, 1, 1]} : vector<2x1000x128xf32> to vector<1x1000x128xf32>
    %squeeze3A = vector.shape_cast %slice3A : vector<1x1000x128xf32> to vector<1000x128xf32>
    %slice3A_3 = vector.extract_strided_slice %get3A_2 {offsets = [1, 0, 0], sizes = [1, 1000, 128], strides = [1, 1, 1]} : vector<2x1000x128xf32> to vector<1x1000x128xf32>
    %squeeze3A_4 = vector.shape_cast %slice3A_3 : vector<1x1000x128xf32> to vector<1000x128xf32>
    %add3A = arith.addf %squeeze3A, %squeeze3A_4 : vector<1000x128xf32>
    %get3A_5 = arith.constant 0 : index
    %get3A_6 = arith.constant 0 : index
    %get3A_7 = arith.constant 0 : index
    %get3A_8 = vector.load %arg2[%get3A_5, %get3A_6, %get3A_7] : memref<2x1000x128xf32, #tpu.memory_space<vmem>>, vector<2x1000x128xf32>
    %slice3A_9 = vector.extract_strided_slice %get3A_8 {offsets = [0, 0, 0], sizes = [1, 1000, 128], strides = [1, 1, 1]} : vector<2x1000x128xf32> to vector<1x1000x128xf32>
    %squeeze3A_10 = vector.shape_cast %slice3A_9 : vector<1x1000x128xf32> to vector<1000x128xf32>
    %slice3A_11 = vector.extract_strided_slice %squeeze3A_10 {offsets = [0, 0], sizes = [1000, 1], strides = [1, 1]} : vector<1000x128xf32> to vector<1000x1xf32>
    %slice3A_12 = vector.extract_strided_slice %get3A_8 {offsets = [1, 0, 0], sizes = [1, 1000, 128], strides = [1, 1, 1]} : vector<2x1000x128xf32> to vector<1x1000x128xf32>
    %squeeze3A_13 = vector.shape_cast %slice3A_12 : vector<1x1000x128xf32> to vector<1000x128xf32>
    %slice3A_14 = vector.extract_strided_slice %squeeze3A_13 {offsets = [0, 0], sizes = [1000, 1], strides = [1, 1]} : vector<1000x128xf32> to vector<1000x1xf32>
    %add3A_15 = arith.addf %slice3A_11, %slice3A_14 : vector<1000x1xf32>
    %max3A = arith.constant 1.000000e+00 : f32
    %max3A_16 = vector.broadcast %max3A : f32 to vector<1000x1xf32>
    %max3A_17 = arith.maximumf %add3A_15, %max3A_16 : vector<1000x1xf32>
    %div3A = arith.constant 1.000000e+00 : f32
    %div3A_18 = vector.broadcast %div3A : f32 to vector<1000x1xf32>
    %div3A_19 = arith.divf %div3A_18, %max3A_17 : vector<1000x1xf32>
    %mul3A = vector.broadcast %div3A_19 : vector<1000x1xf32> to vector<1000x128xf32>
    %mul3A_20 = arith.mulf %add3A, %mul3A : vector<1000x128xf32>
    %get3A_21 = arith.constant 0 : index
    %get3A_22 = arith.constant 0 : index
    %get3A_23 = vector.load %arg4[%get3A_21, %get3A_22] : memref<128x256xf32, #tpu.memory_space<vmem>>, vector<128x256xf32>
    %dot_general3A = arith.constant dense<0.000000e+00> : vector<1000x256xf32>
    %dot_general3A_24 = tpu.matmul %mul3A_20, %get3A_23, %dot_general3A {dimension_numbers = #tpu.dot_dimension_numbers<[1], [0], [0], [1], [0, 0, 1, 1], [], []>, transpose_lhs_hint = false} : vector<1000x128xf32>, vector<128x256xf32>, vector<1000x256xf32> -> vector<1000x256xf32>
    %get3A_25 = arith.constant 0 : index
    %get3A_26 = arith.constant 0 : index
    %get3A_27 = vector.load %arg3[%get3A_25, %get3A_26] : memref<1000x128xf32, #tpu.memory_space<vmem>>, vector<1000x128xf32>
    %get3A_28 = arith.constant 0 : index
    %get3A_29 = arith.constant 0 : index
    %get3A_30 = vector.load %arg5[%get3A_28, %get3A_29] : memref<128x256xf32, #tpu.memory_space<vmem>>, vector<128x256xf32>
    %dot_general3A_31 = arith.constant dense<0.000000e+00> : vector<1000x256xf32>
    %dot_general3A_32 = tpu.matmul %get3A_27, %get3A_30, %dot_general3A_31 {dimension_numbers = #tpu.dot_dimension_numbers<[1], [0], [0], [1], [0, 0, 1, 1], [], []>, transpose_lhs_hint = false} : vector<1000x128xf32>, vector<128x256xf32>, vector<1000x256xf32> -> vector<1000x256xf32>
    %add3A_33 = arith.addf %dot_general3A_24, %dot_general3A_32 : vector<1000x256xf32>
    %get3A_34 = arith.constant 0 : index
    %get3A_35 = arith.constant 0 : index
    %get3A_36 = vector.load %arg6[%get3A_34, %get3A_35] : memref<5x256xf32, #tpu.memory_space<vmem>>, vector<5x256xf32>
    %slice3A_37 = vector.extract_strided_slice %get3A_36 {offsets = [1, 0], sizes = [1, 256], strides = [1, 1]} : vector<5x256xf32> to vector<1x256xf32>
    %squeeze3A_38 = vector.shape_cast %slice3A_37 : vector<1x256xf32> to vector<256xf32>
    %slice3A_39 = vector.extract_strided_slice %get3A_36 {offsets = [4, 0], sizes = [1, 256], strides = [1, 1]} : vector<5x256xf32> to vector<1x256xf32>
    %squeeze3A_40 = vector.shape_cast %slice3A_39 : vector<1x256xf32> to vector<256xf32>
    %add3A_41 = arith.constant 9.99999974E-6 : f32
    %add3A_42 = vector.broadcast %add3A_41 : f32 to vector<256xf32>
    %add3A_43 = arith.addf %squeeze3A_40, %add3A_42 : vector<256xf32>
    %rsqrt3A = math.rsqrt %add3A_43 : vector<256xf32>
    %mul3A_44 = arith.mulf %squeeze3A_38, %rsqrt3A : vector<256xf32>
    %slice3A_45 = vector.extract_strided_slice %get3A_36 {offsets = [0, 0], sizes = [1, 256], strides = [1, 1]} : vector<5x256xf32> to vector<1x256xf32>
    %squeeze3A_46 = vector.shape_cast %slice3A_45 : vector<1x256xf32> to vector<256xf32>
    %slice3A_47 = vector.extract_strided_slice %get3A_36 {offsets = [3, 0], sizes = [1, 256], strides = [1, 1]} : vector<5x256xf32> to vector<1x256xf32>
    %squeeze3A_48 = vector.shape_cast %slice3A_47 : vector<1x256xf32> to vector<256xf32>
    %sub3A = arith.subf %squeeze3A_46, %squeeze3A_48 : vector<256xf32>
    %mul3A_49 = arith.mulf %sub3A, %mul3A_44 : vector<256xf32>
    %slice3A_50 = vector.extract_strided_slice %get3A_36 {offsets = [2, 0], sizes = [1, 256], strides = [1, 1]} : vector<5x256xf32> to vector<1x256xf32>
    %squeeze3A_51 = vector.shape_cast %slice3A_50 : vector<1x256xf32> to vector<256xf32>
    %add3A_52 = arith.addf %mul3A_49, %squeeze3A_51 : vector<256xf32>
    %broadcast_in_dim3A = vector.shape_cast %mul3A_44 : vector<256xf32> to vector<1x256xf32>
    %mul3A_53 = vector.broadcast %broadcast_in_dim3A : vector<1x256xf32> to vector<1000x256xf32>
    %mul3A_54 = arith.mulf %add3A_33, %mul3A_53 : vector<1000x256xf32>
    %broadcast_in_dim3A_55 = vector.shape_cast %add3A_52 : vector<256xf32> to vector<1x256xf32>
    %add3A_56 = vector.broadcast %broadcast_in_dim3A_55 : vector<1x256xf32> to vector<1000x256xf32>
    %add3A_57 = arith.addf %mul3A_54, %add3A_56 : vector<1000x256xf32>
    %max3A_58 = arith.constant 0.000000e+00 : f32
    %max3A_59 = vector.broadcast %max3A_58 : f32 to vector<1000x256xf32>
    %max3A_60 = arith.maximumf %add3A_57, %max3A_59 : vector<1000x256xf32>
    %slice3A_61 = vector.extract_strided_slice %max3A_60 {offsets = [0, 0], sizes = [1000, 128], strides = [1, 1]} : vector<1000x256xf32> to vector<1000x128xf32>
    %swap3A = arith.constant 0 : index
    %swap3A_62 = arith.constant 0 : index
    %swap3A_63 = arith.constant 0 : index
    %swap3A_64 = vector.load %arg7[%swap3A, %swap3A_62, %swap3A_63] : memref<2x1000x128xf32, #tpu.memory_space<vmem>>, vector<1x1000x128xf32>
    %swap3A_65 = vector.shape_cast %swap3A_64 : vector<1x1000x128xf32> to vector<1000x128xf32>
    %swap3A_66 = vector.shape_cast %slice3A_61 : vector<1000x128xf32> to vector<1x1000x128xf32>
    tpu.vector_store %arg7[%swap3A, %swap3A_62, %swap3A_63], %swap3A_66 {strides = array<i32>} : memref<2x1000x128xf32, #tpu.memory_space<vmem>>, vector<1x1000x128xf32>,
    %slice3A_67 = vector.extract_strided_slice %max3A_60 {offsets = [0, 128], sizes = [1000, 128], strides = [1, 1]} : vector<1000x256xf32> to vector<1000x128xf32>
    %swap3A_68 = arith.constant 1 : index
    %swap3A_69 = arith.constant 0 : index
    %swap3A_70 = arith.constant 0 : index
    %swap3A_71 = vector.load %arg7[%swap3A_68, %swap3A_69, %swap3A_70] : memref<2x1000x128xf32, #tpu.memory_space<vmem>>, vector<1x1000x128xf32>
    %swap3A_72 = vector.shape_cast %swap3A_71 : vector<1x1000x128xf32> to vector<1000x128xf32>
    %swap3A_73 = vector.shape_cast %slice3A_67 : vector<1000x128xf32> to vector<1x1000x128xf32>
    tpu.vector_store %arg7[%swap3A_68, %swap3A_69, %swap3A_70], %swap3A_73 {strides = array<i32>} : memref<2x1000x128xf32, #tpu.memory_space<vmem>>, vector<1x1000x128xf32>,
    return
  }
  func.func @transform_0(%arg0: i32) -> (i32, i32, i32) {
    %c0_i32 = arith.constant 0 : i32
    %c0_i32_0 = arith.constant 0 : i32
    %c0_i32_1 = arith.constant 0 : i32
    return %c0_i32, %arg0, %c0_i32_0 : i32, i32, i32
  }
  func.func @transform_1(%arg0: i32) -> (i32, i32, i32) {
    %c0_i32 = arith.constant 0 : i32
    %c0_i32_0 = arith.constant 0 : i32
    %c0_i32_1 = arith.constant 0 : i32
    return %c0_i32, %arg0, %c0_i32_0 : i32, i32, i32
  }
  func.func @transform_2(%arg0: i32) -> (i32, i32) {
    %c0_i32 = arith.constant 0 : i32
    %c0_i32_0 = arith.constant 0 : i32
    return %arg0, %c0_i32 : i32, i32
  }
  func.func @transform_3(%arg0: i32) -> (i32, i32) {
    %c0_i32 = arith.constant 0 : i32
    %c0_i32_0 = arith.constant 0 : i32
    %c0_i32_1 = arith.constant 0 : i32
    return %c0_i32, %c0_i32_0 : i32, i32
  }
  func.func @transform_4(%arg0: i32) -> (i32, i32) {
    %c0_i32 = arith.constant 0 : i32
    %c0_i32_0 = arith.constant 0 : i32
    %c0_i32_1 = arith.constant 0 : i32
    return %c0_i32, %c0_i32_0 : i32, i32
  }
  func.func @transform_5(%arg0: i32) -> (i32, i32) {
    %c0_i32 = arith.constant 0 : i32
    %c0_i32_0 = arith.constant 0 : i32
    %c0_i32_1 = arith.constant 0 : i32
    return %c0_i32, %c0_i32_0 : i32, i32
  }
  func.func @transform_6(%arg0: i32) -> (i32, i32, i32) {
    %c0_i32 = arith.constant 0 : i32
    %c0_i32_0 = arith.constant 0 : i32
    %c0_i32_1 = arith.constant 0 : i32
    return %c0_i32, %arg0, %c0_i32_0 : i32, i32, i32
  }
}

module attributes {stable_mosaic.version = 14 : i64} {
  func.func @_dense1_body(%arg0: i32, %arg1: memref<2x1000x128xf32, #tpu.memory_space<vmem>>, %arg2: memref<2x1000x128xf32, #tpu.memory_space<vmem>>, %arg3: memref<2x1000x128xf32, #tpu.memory_space<vmem>>, %arg4: memref<256x256xf32, #tpu.memory_space<vmem>>, %arg5: memref<256x256xf32, #tpu.memory_space<vmem>>, %arg6: memref<5x256xf32, #tpu.memory_space<vmem>>, %arg7: memref<2x1000x128xf32, #tpu.memory_space<vmem>>) attributes {dimension_semantics = [#tpu.dimension_semantics<arbitrary>], iteration_bounds = array<i64: 10>, scalar_prefetch = 0 : i64, scratch_operands = 0 : i64, tpu.core_type = #tpu.core_type<tc>, window_params = [{transform_indices = @transform_0, window_bounds = array<i64: 2, 1000, 128>}, {transform_indices = @transform_1, window_bounds = array<i64: 2, 1000, 128>}, {transform_indices = @transform_2, window_bounds = array<i64: 2, 1000, 128>}, {pipeline_mode = #tpu.pipeline_mode<synchronous>, transform_indices = @transform_3, window_bounds = array<i64: 256, 256>}, {pipeline_mode = #tpu.pipeline_mode<synchronous>, transform_indices = @transform_4, window_bounds = array<i64: 256, 256>}, {pipeline_mode = #tpu.pipeline_mode<synchronous>, transform_indices = @transform_5, window_bounds = array<i64: 5, 256>}, {transform_indices = @transform_6, window_bounds = array<i64: 2, 1000, 128>}]} {
    %get3A = arith.constant 0 : index
    %get3A_0 = arith.constant 0 : index
    %get3A_1 = arith.constant 0 : index
    %get3A_2 = vector.load %arg1[%get3A, %get3A_0, %get3A_1] : memref<2x1000x128xf32, #tpu.memory_space<vmem>>, vector<2x1000x128xf32>
    %get3A_3 = arith.constant 0 : index
    %get3A_4 = arith.constant 0 : index
    %get3A_5 = arith.constant 0 : index
    %get3A_6 = vector.load %arg2[%get3A_3, %get3A_4, %get3A_5] : memref<2x1000x128xf32, #tpu.memory_space<vmem>>, vector<2x1000x128xf32>
    %slice3A = vector.extract_strided_slice %get3A_6 {offsets = [0, 0, 0], sizes = [1, 1000, 128], strides = [1, 1, 1]} : vector<2x1000x128xf32> to vector<1x1000x128xf32>
    %squeeze3A = vector.shape_cast %slice3A : vector<1x1000x128xf32> to vector<1000x128xf32>
    %slice3A_7 = vector.extract_strided_slice %squeeze3A {offsets = [0, 0], sizes = [1000, 1], strides = [1, 1]} : vector<1000x128xf32> to vector<1000x1xf32>
    %slice3A_8 = vector.extract_strided_slice %get3A_6 {offsets = [1, 0, 0], sizes = [1, 1000, 128], strides = [1, 1, 1]} : vector<2x1000x128xf32> to vector<1x1000x128xf32>
    %squeeze3A_9 = vector.shape_cast %slice3A_8 : vector<1x1000x128xf32> to vector<1000x128xf32>
    %slice3A_10 = vector.extract_strided_slice %squeeze3A_9 {offsets = [0, 0], sizes = [1000, 1], strides = [1, 1]} : vector<1000x128xf32> to vector<1000x1xf32>
    %add3A = arith.addf %slice3A_7, %slice3A_10 : vector<1000x1xf32>
    %max3A = arith.constant 1.000000e+00 : f32
    %max3A_11 = vector.broadcast %max3A : f32 to vector<1000x1xf32>
    %max3A_12 = arith.maximumf %add3A, %max3A_11 : vector<1000x1xf32>
    %div3A = arith.constant 1.000000e+00 : f32
    %div3A_13 = vector.broadcast %div3A : f32 to vector<1000x1xf32>
    %div3A_14 = arith.divf %div3A_13, %max3A_12 : vector<1000x1xf32>
    %get3A_15 = arith.constant 0 : index
    %get3A_16 = arith.constant 0 : index
    %get3A_17 = vector.load %arg4[%get3A_15, %get3A_16] : memref<256x256xf32, #tpu.memory_space<vmem>>, vector<256x256xf32>
    %get3A_18 = arith.constant 0 : index
    %get3A_19 = arith.constant 0 : index
    %get3A_20 = vector.load %arg5[%get3A_18, %get3A_19] : memref<256x256xf32, #tpu.memory_space<vmem>>, vector<256x256xf32>
    %get3A_21 = arith.constant 0 : index
    %get3A_22 = arith.constant 0 : index
    %get3A_23 = arith.constant 0 : index
    %get3A_24 = vector.load %arg3[%get3A_21, %get3A_22, %get3A_23] : memref<2x1000x128xf32, #tpu.memory_space<vmem>>, vector<2x1000x128xf32>
    %slice3A_25 = vector.extract_strided_slice %get3A_2 {offsets = [0, 0, 0], sizes = [1, 1000, 128], strides = [1, 1, 1]} : vector<2x1000x128xf32> to vector<1x1000x128xf32>
    %squeeze3A_26 = vector.shape_cast %slice3A_25 : vector<1x1000x128xf32> to vector<1000x128xf32>
    %mul3A = vector.broadcast %div3A_14 : vector<1000x1xf32> to vector<1000x128xf32>
    %mul3A_27 = arith.mulf %squeeze3A_26, %mul3A : vector<1000x128xf32>
    %slice3A_28 = vector.extract_strided_slice %get3A_17 {offsets = [0, 0], sizes = [128, 256], strides = [1, 1]} : vector<256x256xf32> to vector<128x256xf32>
    %dot_general3A = arith.constant dense<0.000000e+00> : vector<1000x256xf32>
    %dot_general3A_29 = tpu.matmul %mul3A_27, %slice3A_28, %dot_general3A {dimension_numbers = #tpu.dot_dimension_numbers<[1], [0], [0], [1], [0, 0, 1, 1], [], []>, transpose_lhs_hint = false} : vector<1000x128xf32>, vector<128x256xf32>, vector<1000x256xf32> -> vector<1000x256xf32>
    %slice3A_30 = vector.extract_strided_slice %get3A_2 {offsets = [1, 0, 0], sizes = [1, 1000, 128], strides = [1, 1, 1]} : vector<2x1000x128xf32> to vector<1x1000x128xf32>
    %squeeze3A_31 = vector.shape_cast %slice3A_30 : vector<1x1000x128xf32> to vector<1000x128xf32>
    %mul3A_32 = vector.broadcast %div3A_14 : vector<1000x1xf32> to vector<1000x128xf32>
    %mul3A_33 = arith.mulf %squeeze3A_31, %mul3A_32 : vector<1000x128xf32>
    %slice3A_34 = vector.extract_strided_slice %get3A_17 {offsets = [128, 0], sizes = [128, 256], strides = [1, 1]} : vector<256x256xf32> to vector<128x256xf32>
    %dot_general3A_35 = arith.constant dense<0.000000e+00> : vector<1000x256xf32>
    %dot_general3A_36 = tpu.matmul %mul3A_33, %slice3A_34, %dot_general3A_35 {dimension_numbers = #tpu.dot_dimension_numbers<[1], [0], [0], [1], [0, 0, 1, 1], [], []>, transpose_lhs_hint = false} : vector<1000x128xf32>, vector<128x256xf32>, vector<1000x256xf32> -> vector<1000x256xf32>
    %add3A_37 = arith.addf %dot_general3A_29, %dot_general3A_36 : vector<1000x256xf32>
    %slice3A_38 = vector.extract_strided_slice %get3A_24 {offsets = [0, 0, 0], sizes = [1, 1000, 128], strides = [1, 1, 1]} : vector<2x1000x128xf32> to vector<1x1000x128xf32>
    %squeeze3A_39 = vector.shape_cast %slice3A_38 : vector<1x1000x128xf32> to vector<1000x128xf32>
    %slice3A_40 = vector.extract_strided_slice %get3A_20 {offsets = [0, 0], sizes = [128, 256], strides = [1, 1]} : vector<256x256xf32> to vector<128x256xf32>
    %dot_general3A_41 = arith.constant dense<0.000000e+00> : vector<1000x256xf32>
    %dot_general3A_42 = tpu.matmul %squeeze3A_39, %slice3A_40, %dot_general3A_41 {dimension_numbers = #tpu.dot_dimension_numbers<[1], [0], [0], [1], [0, 0, 1, 1], [], []>, transpose_lhs_hint = false} : vector<1000x128xf32>, vector<128x256xf32>, vector<1000x256xf32> -> vector<1000x256xf32>
    %add3A_43 = arith.addf %add3A_37, %dot_general3A_42 : vector<1000x256xf32>
    %slice3A_44 = vector.extract_strided_slice %get3A_24 {offsets = [1, 0, 0], sizes = [1, 1000, 128], strides = [1, 1, 1]} : vector<2x1000x128xf32> to vector<1x1000x128xf32>
    %squeeze3A_45 = vector.shape_cast %slice3A_44 : vector<1x1000x128xf32> to vector<1000x128xf32>
    %slice3A_46 = vector.extract_strided_slice %get3A_20 {offsets = [128, 0], sizes = [128, 256], strides = [1, 1]} : vector<256x256xf32> to vector<128x256xf32>
    %dot_general3A_47 = arith.constant dense<0.000000e+00> : vector<1000x256xf32>
    %dot_general3A_48 = tpu.matmul %squeeze3A_45, %slice3A_46, %dot_general3A_47 {dimension_numbers = #tpu.dot_dimension_numbers<[1], [0], [0], [1], [0, 0, 1, 1], [], []>, transpose_lhs_hint = false} : vector<1000x128xf32>, vector<128x256xf32>, vector<1000x256xf32> -> vector<1000x256xf32>
    %add3A_49 = arith.addf %add3A_43, %dot_general3A_48 : vector<1000x256xf32>
    %get3A_50 = arith.constant 0 : index
    %get3A_51 = arith.constant 0 : index
    %get3A_52 = vector.load %arg6[%get3A_50, %get3A_51] : memref<5x256xf32, #tpu.memory_space<vmem>>, vector<5x256xf32>
    %slice3A_53 = vector.extract_strided_slice %get3A_52 {offsets = [1, 0], sizes = [1, 256], strides = [1, 1]} : vector<5x256xf32> to vector<1x256xf32>
    %squeeze3A_54 = vector.shape_cast %slice3A_53 : vector<1x256xf32> to vector<256xf32>
    %slice3A_55 = vector.extract_strided_slice %get3A_52 {offsets = [4, 0], sizes = [1, 256], strides = [1, 1]} : vector<5x256xf32> to vector<1x256xf32>
    %squeeze3A_56 = vector.shape_cast %slice3A_55 : vector<1x256xf32> to vector<256xf32>
    %add3A_57 = arith.constant 9.99999974E-6 : f32
    %add3A_58 = vector.broadcast %add3A_57 : f32 to vector<256xf32>
    %add3A_59 = arith.addf %squeeze3A_56, %add3A_58 : vector<256xf32>
    %rsqrt3A = math.rsqrt %add3A_59 : vector<256xf32>
    %mul3A_60 = arith.mulf %squeeze3A_54, %rsqrt3A : vector<256xf32>
    %slice3A_61 = vector.extract_strided_slice %get3A_52 {offsets = [0, 0], sizes = [1, 256], strides = [1, 1]} : vector<5x256xf32> to vector<1x256xf32>
    %squeeze3A_62 = vector.shape_cast %slice3A_61 : vector<1x256xf32> to vector<256xf32>
    %slice3A_63 = vector.extract_strided_slice %get3A_52 {offsets = [3, 0], sizes = [1, 256], strides = [1, 1]} : vector<5x256xf32> to vector<1x256xf32>
    %squeeze3A_64 = vector.shape_cast %slice3A_63 : vector<1x256xf32> to vector<256xf32>
    %sub3A = arith.subf %squeeze3A_62, %squeeze3A_64 : vector<256xf32>
    %mul3A_65 = arith.mulf %sub3A, %mul3A_60 : vector<256xf32>
    %slice3A_66 = vector.extract_strided_slice %get3A_52 {offsets = [2, 0], sizes = [1, 256], strides = [1, 1]} : vector<5x256xf32> to vector<1x256xf32>
    %squeeze3A_67 = vector.shape_cast %slice3A_66 : vector<1x256xf32> to vector<256xf32>
    %add3A_68 = arith.addf %mul3A_65, %squeeze3A_67 : vector<256xf32>
    %broadcast_in_dim3A = vector.shape_cast %mul3A_60 : vector<256xf32> to vector<1x256xf32>
    %mul3A_69 = vector.broadcast %broadcast_in_dim3A : vector<1x256xf32> to vector<1000x256xf32>
    %mul3A_70 = arith.mulf %add3A_49, %mul3A_69 : vector<1000x256xf32>
    %broadcast_in_dim3A_71 = vector.shape_cast %add3A_68 : vector<256xf32> to vector<1x256xf32>
    %add3A_72 = vector.broadcast %broadcast_in_dim3A_71 : vector<1x256xf32> to vector<1000x256xf32>
    %add3A_73 = arith.addf %mul3A_70, %add3A_72 : vector<1000x256xf32>
    %max3A_74 = arith.constant 0.000000e+00 : f32
    %max3A_75 = vector.broadcast %max3A_74 : f32 to vector<1000x256xf32>
    %max3A_76 = arith.maximumf %add3A_73, %max3A_75 : vector<1000x256xf32>
    %slice3A_77 = vector.extract_strided_slice %max3A_76 {offsets = [0, 0], sizes = [1000, 128], strides = [1, 1]} : vector<1000x256xf32> to vector<1000x128xf32>
    %swap3A = arith.constant 0 : index
    %swap3A_78 = arith.constant 0 : index
    %swap3A_79 = arith.constant 0 : index
    %swap3A_80 = vector.load %arg7[%swap3A, %swap3A_78, %swap3A_79] : memref<2x1000x128xf32, #tpu.memory_space<vmem>>, vector<1x1000x128xf32>
    %swap3A_81 = vector.shape_cast %swap3A_80 : vector<1x1000x128xf32> to vector<1000x128xf32>
    %swap3A_82 = vector.shape_cast %slice3A_77 : vector<1000x128xf32> to vector<1x1000x128xf32>
    tpu.vector_store %arg7[%swap3A, %swap3A_78, %swap3A_79], %swap3A_82 {strides = array<i32>} : memref<2x1000x128xf32, #tpu.memory_space<vmem>>, vector<1x1000x128xf32>,
    %slice3A_83 = vector.extract_strided_slice %max3A_76 {offsets = [0, 128], sizes = [1000, 128], strides = [1, 1]} : vector<1000x256xf32> to vector<1000x128xf32>
    %swap3A_84 = arith.constant 1 : index
    %swap3A_85 = arith.constant 0 : index
    %swap3A_86 = arith.constant 0 : index
    %swap3A_87 = vector.load %arg7[%swap3A_84, %swap3A_85, %swap3A_86] : memref<2x1000x128xf32, #tpu.memory_space<vmem>>, vector<1x1000x128xf32>
    %swap3A_88 = vector.shape_cast %swap3A_87 : vector<1x1000x128xf32> to vector<1000x128xf32>
    %swap3A_89 = vector.shape_cast %slice3A_83 : vector<1000x128xf32> to vector<1x1000x128xf32>
    tpu.vector_store %arg7[%swap3A_84, %swap3A_85, %swap3A_86], %swap3A_89 {strides = array<i32>} : memref<2x1000x128xf32, #tpu.memory_space<vmem>>, vector<1x1000x128xf32>,
    return
  }
  func.func @transform_0(%arg0: i32) -> (i32, i32, i32) {
    %c0_i32 = arith.constant 0 : i32
    %c0_i32_0 = arith.constant 0 : i32
    %c0_i32_1 = arith.constant 0 : i32
    return %c0_i32, %arg0, %c0_i32_0 : i32, i32, i32
  }
  func.func @transform_1(%arg0: i32) -> (i32, i32, i32) {
    %c0_i32 = arith.constant 0 : i32
    %c0_i32_0 = arith.constant 0 : i32
    %c0_i32_1 = arith.constant 0 : i32
    return %c0_i32, %arg0, %c0_i32_0 : i32, i32, i32
  }
  func.func @transform_2(%arg0: i32) -> (i32, i32, i32) {
    %c0_i32 = arith.constant 0 : i32
    %c0_i32_0 = arith.constant 0 : i32
    %c0_i32_1 = arith.constant 0 : i32
    return %c0_i32, %arg0, %c0_i32_0 : i32, i32, i32
  }
  func.func @transform_3(%arg0: i32) -> (i32, i32) {
    %c0_i32 = arith.constant 0 : i32
    %c0_i32_0 = arith.constant 0 : i32
    %c0_i32_1 = arith.constant 0 : i32
    return %c0_i32, %c0_i32_0 : i32, i32
  }
  func.func @transform_4(%arg0: i32) -> (i32, i32) {
    %c0_i32 = arith.constant 0 : i32
    %c0_i32_0 = arith.constant 0 : i32
    %c0_i32_1 = arith.constant 0 : i32
    return %c0_i32, %c0_i32_0 : i32, i32
  }
  func.func @transform_5(%arg0: i32) -> (i32, i32) {
    %c0_i32 = arith.constant 0 : i32
    %c0_i32_0 = arith.constant 0 : i32
    %c0_i32_1 = arith.constant 0 : i32
    return %c0_i32, %c0_i32_0 : i32, i32
  }
  func.func @transform_6(%arg0: i32) -> (i32, i32, i32) {
    %c0_i32 = arith.constant 0 : i32
    %c0_i32_0 = arith.constant 0 : i32
    %c0_i32_1 = arith.constant 0 : i32
    return %c0_i32, %arg0, %c0_i32_0 : i32, i32, i32
  }
}

module attributes {stable_mosaic.version = 14 : i64} {
  func.func @_dense2_body(%arg0: i32, %arg1: memref<2x1000x128xf32, #tpu.memory_space<vmem>>, %arg2: memref<2x1000x128xf32, #tpu.memory_space<vmem>>, %arg3: memref<2x1000x128xf32, #tpu.memory_space<vmem>>, %arg4: memref<256x128xf32, #tpu.memory_space<vmem>>, %arg5: memref<256x128xf32, #tpu.memory_space<vmem>>, %arg6: memref<5x128xf32, #tpu.memory_space<vmem>>, %arg7: memref<128x2xf32, #tpu.memory_space<vmem>>, %arg8: memref<1x2xf32, #tpu.memory_space<vmem>>, %arg9: memref<1000x2xf32, #tpu.memory_space<vmem>>) attributes {dimension_semantics = [#tpu.dimension_semantics<arbitrary>], iteration_bounds = array<i64: 10>, scalar_prefetch = 0 : i64, scratch_operands = 0 : i64, tpu.core_type = #tpu.core_type<tc>, window_params = [{transform_indices = @transform_0, window_bounds = array<i64: 2, 1000, 128>}, {transform_indices = @transform_1, window_bounds = array<i64: 2, 1000, 128>}, {transform_indices = @transform_2, window_bounds = array<i64: 2, 1000, 128>}, {pipeline_mode = #tpu.pipeline_mode<synchronous>, transform_indices = @transform_3, window_bounds = array<i64: 256, 128>}, {pipeline_mode = #tpu.pipeline_mode<synchronous>, transform_indices = @transform_4, window_bounds = array<i64: 256, 128>}, {pipeline_mode = #tpu.pipeline_mode<synchronous>, transform_indices = @transform_5, window_bounds = array<i64: 5, 128>}, {pipeline_mode = #tpu.pipeline_mode<synchronous>, transform_indices = @transform_6, window_bounds = array<i64: 128, 2>}, {pipeline_mode = #tpu.pipeline_mode<synchronous>, transform_indices = @transform_7, window_bounds = array<i64: 1, 2>}, {transform_indices = @transform_8, window_bounds = array<i64: 1000, 2>}]} {
    %get3A = arith.constant 0 : index
    %get3A_0 = arith.constant 0 : index
    %get3A_1 = arith.constant 0 : index
    %get3A_2 = vector.load %arg1[%get3A, %get3A_0, %get3A_1] : memref<2x1000x128xf32, #tpu.memory_space<vmem>>, vector<2x1000x128xf32>
    %get3A_3 = arith.constant 0 : index
    %get3A_4 = arith.constant 0 : index
    %get3A_5 = arith.constant 0 : index
    %get3A_6 = vector.load %arg2[%get3A_3, %get3A_4, %get3A_5] : memref<2x1000x128xf32, #tpu.memory_space<vmem>>, vector<2x1000x128xf32>
    %slice3A = vector.extract_strided_slice %get3A_6 {offsets = [0, 0, 0], sizes = [1, 1000, 128], strides = [1, 1, 1]} : vector<2x1000x128xf32> to vector<1x1000x128xf32>
    %squeeze3A = vector.shape_cast %slice3A : vector<1x1000x128xf32> to vector<1000x128xf32>
    %slice3A_7 = vector.extract_strided_slice %squeeze3A {offsets = [0, 0], sizes = [1000, 1], strides = [1, 1]} : vector<1000x128xf32> to vector<1000x1xf32>
    %slice3A_8 = vector.extract_strided_slice %get3A_6 {offsets = [1, 0, 0], sizes = [1, 1000, 128], strides = [1, 1, 1]} : vector<2x1000x128xf32> to vector<1x1000x128xf32>
    %squeeze3A_9 = vector.shape_cast %slice3A_8 : vector<1x1000x128xf32> to vector<1000x128xf32>
    %slice3A_10 = vector.extract_strided_slice %squeeze3A_9 {offsets = [0, 0], sizes = [1000, 1], strides = [1, 1]} : vector<1000x128xf32> to vector<1000x1xf32>
    %add3A = arith.addf %slice3A_7, %slice3A_10 : vector<1000x1xf32>
    %max3A = arith.constant 1.000000e+00 : f32
    %max3A_11 = vector.broadcast %max3A : f32 to vector<1000x1xf32>
    %max3A_12 = arith.maximumf %add3A, %max3A_11 : vector<1000x1xf32>
    %div3A = arith.constant 1.000000e+00 : f32
    %div3A_13 = vector.broadcast %div3A : f32 to vector<1000x1xf32>
    %div3A_14 = arith.divf %div3A_13, %max3A_12 : vector<1000x1xf32>
    %get3A_15 = arith.constant 0 : index
    %get3A_16 = arith.constant 0 : index
    %get3A_17 = vector.load %arg4[%get3A_15, %get3A_16] : memref<256x128xf32, #tpu.memory_space<vmem>>, vector<256x128xf32>
    %get3A_18 = arith.constant 0 : index
    %get3A_19 = arith.constant 0 : index
    %get3A_20 = vector.load %arg5[%get3A_18, %get3A_19] : memref<256x128xf32, #tpu.memory_space<vmem>>, vector<256x128xf32>
    %get3A_21 = arith.constant 0 : index
    %get3A_22 = arith.constant 0 : index
    %get3A_23 = arith.constant 0 : index
    %get3A_24 = vector.load %arg3[%get3A_21, %get3A_22, %get3A_23] : memref<2x1000x128xf32, #tpu.memory_space<vmem>>, vector<2x1000x128xf32>
    %slice3A_25 = vector.extract_strided_slice %get3A_2 {offsets = [0, 0, 0], sizes = [1, 1000, 128], strides = [1, 1, 1]} : vector<2x1000x128xf32> to vector<1x1000x128xf32>
    %squeeze3A_26 = vector.shape_cast %slice3A_25 : vector<1x1000x128xf32> to vector<1000x128xf32>
    %mul3A = vector.broadcast %div3A_14 : vector<1000x1xf32> to vector<1000x128xf32>
    %mul3A_27 = arith.mulf %squeeze3A_26, %mul3A : vector<1000x128xf32>
    %slice3A_28 = vector.extract_strided_slice %get3A_17 {offsets = [0, 0], sizes = [128, 128], strides = [1, 1]} : vector<256x128xf32> to vector<128x128xf32>
    %dot_general3A = arith.constant dense<0.000000e+00> : vector<1000x128xf32>
    %dot_general3A_29 = tpu.matmul %mul3A_27, %slice3A_28, %dot_general3A {dimension_numbers = #tpu.dot_dimension_numbers<[1], [0], [0], [1], [0, 0, 1, 1], [], []>, transpose_lhs_hint = false} : vector<1000x128xf32>, vector<128x128xf32>, vector<1000x128xf32> -> vector<1000x128xf32>
    %slice3A_30 = vector.extract_strided_slice %get3A_2 {offsets = [1, 0, 0], sizes = [1, 1000, 128], strides = [1, 1, 1]} : vector<2x1000x128xf32> to vector<1x1000x128xf32>
    %squeeze3A_31 = vector.shape_cast %slice3A_30 : vector<1x1000x128xf32> to vector<1000x128xf32>
    %mul3A_32 = vector.broadcast %div3A_14 : vector<1000x1xf32> to vector<1000x128xf32>
    %mul3A_33 = arith.mulf %squeeze3A_31, %mul3A_32 : vector<1000x128xf32>
    %slice3A_34 = vector.extract_strided_slice %get3A_17 {offsets = [128, 0], sizes = [128, 128], strides = [1, 1]} : vector<256x128xf32> to vector<128x128xf32>
    %dot_general3A_35 = arith.constant dense<0.000000e+00> : vector<1000x128xf32>
    %dot_general3A_36 = tpu.matmul %mul3A_33, %slice3A_34, %dot_general3A_35 {dimension_numbers = #tpu.dot_dimension_numbers<[1], [0], [0], [1], [0, 0, 1, 1], [], []>, transpose_lhs_hint = false} : vector<1000x128xf32>, vector<128x128xf32>, vector<1000x128xf32> -> vector<1000x128xf32>
    %add3A_37 = arith.addf %dot_general3A_29, %dot_general3A_36 : vector<1000x128xf32>
    %slice3A_38 = vector.extract_strided_slice %get3A_24 {offsets = [0, 0, 0], sizes = [1, 1000, 128], strides = [1, 1, 1]} : vector<2x1000x128xf32> to vector<1x1000x128xf32>
    %squeeze3A_39 = vector.shape_cast %slice3A_38 : vector<1x1000x128xf32> to vector<1000x128xf32>
    %slice3A_40 = vector.extract_strided_slice %get3A_20 {offsets = [0, 0], sizes = [128, 128], strides = [1, 1]} : vector<256x128xf32> to vector<128x128xf32>
    %dot_general3A_41 = arith.constant dense<0.000000e+00> : vector<1000x128xf32>
    %dot_general3A_42 = tpu.matmul %squeeze3A_39, %slice3A_40, %dot_general3A_41 {dimension_numbers = #tpu.dot_dimension_numbers<[1], [0], [0], [1], [0, 0, 1, 1], [], []>, transpose_lhs_hint = false} : vector<1000x128xf32>, vector<128x128xf32>, vector<1000x128xf32> -> vector<1000x128xf32>
    %add3A_43 = arith.addf %add3A_37, %dot_general3A_42 : vector<1000x128xf32>
    %slice3A_44 = vector.extract_strided_slice %get3A_24 {offsets = [1, 0, 0], sizes = [1, 1000, 128], strides = [1, 1, 1]} : vector<2x1000x128xf32> to vector<1x1000x128xf32>
    %squeeze3A_45 = vector.shape_cast %slice3A_44 : vector<1x1000x128xf32> to vector<1000x128xf32>
    %slice3A_46 = vector.extract_strided_slice %get3A_20 {offsets = [128, 0], sizes = [128, 128], strides = [1, 1]} : vector<256x128xf32> to vector<128x128xf32>
    %dot_general3A_47 = arith.constant dense<0.000000e+00> : vector<1000x128xf32>
    %dot_general3A_48 = tpu.matmul %squeeze3A_45, %slice3A_46, %dot_general3A_47 {dimension_numbers = #tpu.dot_dimension_numbers<[1], [0], [0], [1], [0, 0, 1, 1], [], []>, transpose_lhs_hint = false} : vector<1000x128xf32>, vector<128x128xf32>, vector<1000x128xf32> -> vector<1000x128xf32>
    %add3A_49 = arith.addf %add3A_43, %dot_general3A_48 : vector<1000x128xf32>
    %get3A_50 = arith.constant 0 : index
    %get3A_51 = arith.constant 0 : index
    %get3A_52 = vector.load %arg6[%get3A_50, %get3A_51] : memref<5x128xf32, #tpu.memory_space<vmem>>, vector<5x128xf32>
    %slice3A_53 = vector.extract_strided_slice %get3A_52 {offsets = [1, 0], sizes = [1, 128], strides = [1, 1]} : vector<5x128xf32> to vector<1x128xf32>
    %squeeze3A_54 = vector.shape_cast %slice3A_53 : vector<1x128xf32> to vector<128xf32>
    %slice3A_55 = vector.extract_strided_slice %get3A_52 {offsets = [4, 0], sizes = [1, 128], strides = [1, 1]} : vector<5x128xf32> to vector<1x128xf32>
    %squeeze3A_56 = vector.shape_cast %slice3A_55 : vector<1x128xf32> to vector<128xf32>
    %add3A_57 = arith.constant 9.99999974E-6 : f32
    %add3A_58 = vector.broadcast %add3A_57 : f32 to vector<128xf32>
    %add3A_59 = arith.addf %squeeze3A_56, %add3A_58 : vector<128xf32>
    %rsqrt3A = math.rsqrt %add3A_59 : vector<128xf32>
    %mul3A_60 = arith.mulf %squeeze3A_54, %rsqrt3A : vector<128xf32>
    %slice3A_61 = vector.extract_strided_slice %get3A_52 {offsets = [0, 0], sizes = [1, 128], strides = [1, 1]} : vector<5x128xf32> to vector<1x128xf32>
    %squeeze3A_62 = vector.shape_cast %slice3A_61 : vector<1x128xf32> to vector<128xf32>
    %slice3A_63 = vector.extract_strided_slice %get3A_52 {offsets = [3, 0], sizes = [1, 128], strides = [1, 1]} : vector<5x128xf32> to vector<1x128xf32>
    %squeeze3A_64 = vector.shape_cast %slice3A_63 : vector<1x128xf32> to vector<128xf32>
    %sub3A = arith.subf %squeeze3A_62, %squeeze3A_64 : vector<128xf32>
    %mul3A_65 = arith.mulf %sub3A, %mul3A_60 : vector<128xf32>
    %slice3A_66 = vector.extract_strided_slice %get3A_52 {offsets = [2, 0], sizes = [1, 128], strides = [1, 1]} : vector<5x128xf32> to vector<1x128xf32>
    %squeeze3A_67 = vector.shape_cast %slice3A_66 : vector<1x128xf32> to vector<128xf32>
    %add3A_68 = arith.addf %mul3A_65, %squeeze3A_67 : vector<128xf32>
    %broadcast_in_dim3A = vector.shape_cast %mul3A_60 : vector<128xf32> to vector<1x128xf32>
    %mul3A_69 = vector.broadcast %broadcast_in_dim3A : vector<1x128xf32> to vector<1000x128xf32>
    %mul3A_70 = arith.mulf %add3A_49, %mul3A_69 : vector<1000x128xf32>
    %broadcast_in_dim3A_71 = vector.shape_cast %add3A_68 : vector<128xf32> to vector<1x128xf32>
    %add3A_72 = vector.broadcast %broadcast_in_dim3A_71 : vector<1x128xf32> to vector<1000x128xf32>
    %add3A_73 = arith.addf %mul3A_70, %add3A_72 : vector<1000x128xf32>
    %max3A_74 = arith.constant 0.000000e+00 : f32
    %max3A_75 = vector.broadcast %max3A_74 : f32 to vector<1000x128xf32>
    %max3A_76 = arith.maximumf %add3A_73, %max3A_75 : vector<1000x128xf32>
    %get3A_77 = arith.constant 0 : index
    %get3A_78 = arith.constant 0 : index
    %get3A_79 = vector.load %arg7[%get3A_77, %get3A_78] : memref<128x2xf32, #tpu.memory_space<vmem>>, vector<128x2xf32>
    %dot_general3A_80 = arith.constant dense<0.000000e+00> : vector<1000x2xf32>
    %dot_general3A_81 = tpu.matmul %max3A_76, %get3A_79, %dot_general3A_80 {dimension_numbers = #tpu.dot_dimension_numbers<[1], [0], [0], [1], [0, 0, 1, 1], [], []>, transpose_lhs_hint = false} : vector<1000x128xf32>, vector<128x2xf32>, vector<1000x2xf32> -> vector<1000x2xf32>
    %get3A_82 = arith.constant 0 : index
    %get3A_83 = arith.constant 0 : index
    %get3A_84 = vector.load %arg8[%get3A_82, %get3A_83] : memref<1x2xf32, #tpu.memory_space<vmem>>, vector<1x2xf32>
    %add3A_85 = vector.broadcast %get3A_84 : vector<1x2xf32> to vector<1000x2xf32>
    %add3A_86 = arith.addf %dot_general3A_81, %add3A_85 : vector<1000x2xf32>
    %swap3A = arith.constant 0 : index
    %swap3A_87 = arith.constant 0 : index
    %swap3A_88 = vector.load %arg9[%swap3A, %swap3A_87] : memref<1000x2xf32, #tpu.memory_space<vmem>>, vector<1000x2xf32>
    tpu.vector_store %arg9[%swap3A, %swap3A_87], %add3A_86 {strides = array<i32>} : memref<1000x2xf32, #tpu.memory_space<vmem>>, vector<1000x2xf32>,
    return
  }
  func.func @transform_0(%arg0: i32) -> (i32, i32, i32) {
    %c0_i32 = arith.constant 0 : i32
    %c0_i32_0 = arith.constant 0 : i32
    %c0_i32_1 = arith.constant 0 : i32
    return %c0_i32, %arg0, %c0_i32_0 : i32, i32, i32
  }
  func.func @transform_1(%arg0: i32) -> (i32, i32, i32) {
    %c0_i32 = arith.constant 0 : i32
    %c0_i32_0 = arith.constant 0 : i32
    %c0_i32_1 = arith.constant 0 : i32
    return %c0_i32, %arg0, %c0_i32_0 : i32, i32, i32
  }
  func.func @transform_2(%arg0: i32) -> (i32, i32, i32) {
    %c0_i32 = arith.constant 0 : i32
    %c0_i32_0 = arith.constant 0 : i32
    %c0_i32_1 = arith.constant 0 : i32
    return %c0_i32, %arg0, %c0_i32_0 : i32, i32, i32
  }
  func.func @transform_3(%arg0: i32) -> (i32, i32) {
    %c0_i32 = arith.constant 0 : i32
    %c0_i32_0 = arith.constant 0 : i32
    %c0_i32_1 = arith.constant 0 : i32
    return %c0_i32, %c0_i32_0 : i32, i32
  }
  func.func @transform_4(%arg0: i32) -> (i32, i32) {
    %c0_i32 = arith.constant 0 : i32
    %c0_i32_0 = arith.constant 0 : i32
    %c0_i32_1 = arith.constant 0 : i32
    return %c0_i32, %c0_i32_0 : i32, i32
  }
  func.func @transform_5(%arg0: i32) -> (i32, i32) {
    %c0_i32 = arith.constant 0 : i32
    %c0_i32_0 = arith.constant 0 : i32
    %c0_i32_1 = arith.constant 0 : i32
    return %c0_i32, %c0_i32_0 : i32, i32
  }
  func.func @transform_6(%arg0: i32) -> (i32, i32) {
    %c0_i32 = arith.constant 0 : i32
    %c0_i32_0 = arith.constant 0 : i32
    %c0_i32_1 = arith.constant 0 : i32
    return %c0_i32, %c0_i32_0 : i32, i32
  }
  func.func @transform_7(%arg0: i32) -> (i32, i32) {
    %c0_i32 = arith.constant 0 : i32
    %c0_i32_0 = arith.constant 0 : i32
    %c0_i32_1 = arith.constant 0 : i32
    return %c0_i32, %c0_i32_0 : i32, i32
  }
  func.func @transform_8(%arg0: i32) -> (i32, i32) {
    %c0_i32 = arith.constant 0 : i32
    %c0_i32_0 = arith.constant 0 : i32
    return %arg0, %c0_i32 : i32, i32
  }
}

</mosaic_0001>

<sc_bundles>
// kernel: kernel.11.cloned.1.call-start
scs
__scs_entry_jumppad:
0x0: {  	(pc) =	sbr.rel $0x88, $3  }
0x1: {  	(tag) =	ssettag $0x0;
	lr =	simm.s32 $0x1  }
0x2: {  	[smem:$0x3F88] =	sst lr;
	_ =	strace $0xD0000000  }
0x3: {  	_ = 	snop  }
0x4: {  	_ = 	snop  }
0x5: {  	_ = 	snop  }
0x6: {  	_ = 	snop  }
0x7: {  	_ = 	snop  }
__scs_overlays_trampoline_lowered:
0x8: {  	[smem:$0x3F97] =	sst s0  }
0x9: {  	[smem:$0x3F98] =	sst s1  }
0xa: {  	[smem:$0x3F99] =	sst s2  }
0xb: {  	[smem:$0x3F9A] =	sst s3  }
0xc: {  	[smem:$0x3F9B] =	sst s4  }
0xd: {  	[smem:$0x3F9C] =	sst s5  }
0xe: {  	[smem:$0x3F9D] =	sst s6  }
0xf: {  	[smem:$0x3F9E] =	sst s7  }
0x10: {  	[smem:$0x3F9F] =	sst s8  }
0x11: {  	[smem:$0x3FA0] =	sst s9;
	s0 =	simm.s32 @!p0 $0x0  }
0x12: {  	s1 =	sld [smem:$0x3F86];
	s0 =	simm.s32 @p0 $0x1  }
0x13: {  	[smem:$0x3FA1] =	sst s0;
	s0 =	simm.s32 @!p1 $0x0  }
0x14: {  	s2 =	sld [smem:$0x3F85];
	s0 =	simm.s32 @p1 $0x1  }
0x15: {  	[smem:$0x3FA2] =	sst s0;
	s0 =	simm.s32 @!p2 $0x0  }
0x16: {  	s3 =	sld [smem:$0x3FDB];
	s0 =	simm.s32 @p2 $0x1  }
0x17: {  	s4 =	simm.s32 $0x1BF5;
	[smem:$0x3FA4] =	sst s0  }
0x18: {  	s0 =	sld [smem:$0x3F87];
	_ =	swait.ge [sflag:s4], $0x0  }
0x19: {  	s7 =	sld [smem:$0x3F88]  }
0x1a: {  	s8 =	sadd.s32 $0xFFFFE003, lr  }
0x1b: {  	s9 =	sadd.s32 $0xFFFFFEF7, lr;
	s5 =	simm.s32 $0xFFFFFFFF;
	p2 =	slt.u32 s8, $0xFFFFF086  }
0x1c: {  	p1 =	slt.u32 s9, $0xF7A;
	s5 =	simm.s32 @!p2 $0x0  }
0x1d: {  	s5 =	simm.s32 @p1 $0x1;
	p0 =	seq.s32 s7, s2  }
0x1e: {  	s7 =	smul.u32 @!p0 $0xF7A, s2;
	p2 =	seq.s32 @!p0 s5, $0x0  }
0x1f: {  	s9 =	smul.u32 $0xF7A, s1;
	s8 =	simm.s32 @!p0 $0x1BF5;
	p2 =	por !p2, p0  }
0x20: {  	[sflag:s8] =	ssyncset.s32 @!p0 $0xFFFFF086;
	s6 =	sadd.s32 @!p0 s3, s7;
	s7 =	simm.s32 @!p0 $0x108  }
0x21: {  	s3 =	sadd.s32 s3, s9;
	s6 =	sadd.s32 @!p0 $0x88, s6;
	s7 =	simm.s32 @p2 $0x1082  }
0x22: {  	[simem:s7], [sflag:s8] =	dma.local @!p0 [hbm:s6], $0xF7A  }
0x23: {  	s9 =	sor.u32 $0xD0000000, s2;
	s6 =	simm.s32 $0x108;
	_ =	swait.ge @!p0 [sflag:s8], $0x0  }
0x24: {  	s3 =	sadd.s32 $0x88, s3;
	s6 =	simm.s32 @!p1 $0x1082;
	[sflag:s4] =	ssyncset.s32 $0xFFFFF086  }
0x25: {  	[simem:s6], [sflag:s4] =	dma.local [hbm:s3], $0xF7A  }
0x26: {  	[smem:$0x3F88] =	sst s1;
	(tag) =	ssettag s2;
	_ =	strace s9  }
0x27: {  	s1 =	sld [smem:$0x3F98]  }
0x28: {  	s2 =	sld [smem:$0x3F99]  }
0x29: {  	s4 =	sld [smem:$0x3F9B]  }
0x2a: {  	p0 =	seq.s32 s5, $0x0;
	s5 =	sld [smem:$0x3F9C]  }
0x2b: {  	s6 =	sld [smem:$0x3F9D]  }
0x2c: {  	s7 =	sld [smem:$0x3F9E]  }
0x2d: {  	s3 =	simm.s32 $0x108;
	s8 =	sld [smem:$0x3F9F]  }
0x2e: {  	s3 =	simm.s32 @!p0 $0x1082;
	s9 =	sld [smem:$0x3FA0]  }
0x2f: {  	lr =	sadd.s32 s0, s3;
	s0 =	sld [smem:$0x3F97]  }
0x30: {  	s3 =	sld [smem:$0x3F9A]  }
0x31: {  	[smem:$0x3FA3] =	sst s10  }
0x32: {  	s10 =	sld [smem:$0x3FA1];
	_ =	sdelay $0x3  }
0x33: {  	p0 =	seq.s32 s10, $0x1;
	s10 =	sld [smem:$0x3FA3];
	_ =	sdelay $0x3  }
0x34: {  	[smem:$0x3FA3] =	sst s10  }
0x35: {  	s10 =	sld [smem:$0x3FA2];
	_ =	sdelay $0x3  }
0x36: {  	p1 =	seq.s32 s10, $0x1;
	s10 =	sld [smem:$0x3FA3];
	_ =	sdelay $0x3  }
0x37: {  	[smem:$0x3FA3] =	sst s10  }
0x38: {  	s10 =	sld [smem:$0x3FA4]  }
0x39: {  	_ = 	snop;
	(pc) =	sbr.ind lr, $3  }
0x3a: {  	_ = 	snop  }
0x3b: {  	_ = 	snop  }
0x3c: {  	p2 =	seq.s32 s10, $0x1;
	s10 =	sld [smem:$0x3FA3]  }
0x3d: {  	_ =	shalt  }
0x3e: {  	_ =	shalt  }
0x3f: {  	_ =	shalt  }
0x40: {  	_ =	shalt  }
0x41: {  	_ =	shalt  }
0x42: {  	_ =	shalt  }
0x43: {  	_ =	shalt  }
0x44: {  	_ =	shalt  }
0x45: {  	_ =	shalt  }
0x46: {  	_ =	shalt  }
0x47: {  	_ =	shalt  }
0x48: {  	_ =	shalt  }
0x49: {  	_ =	shalt  }
0x4a: {  	_ =	shalt  }
0x4b: {  	_ =	shalt  }
0x4c: {  	_ =	shalt  }
0x4d: {  	_ =	shalt  }
0x4e: {  	_ =	shalt  }
0x4f: {  	_ =	shalt  }
0x50: {  	_ =	shalt  }
0x51: {  	_ =	shalt  }
0x52: {  	_ =	shalt  }
0x53: {  	_ =	shalt  }
0x54: {  	_ =	shalt  }
0x55: {  	_ =	shalt  }
0x56: {  	_ =	shalt  }
0x57: {  	_ =	shalt  }
0x58: {  	_ =	shalt  }
0x59: {  	_ =	shalt  }
0x5a: {  	_ =	shalt  }
0x5b: {  	_ =	shalt  }
0x5c: {  	_ =	shalt  }
0x5d: {  	_ =	shalt  }
0x5e: {  	_ =	shalt  }
0x5f: {  	_ =	shalt  }
0x60: {  	_ =	shalt  }
0x61: {  	_ =	shalt  }
0x62: {  	_ =	shalt  }
0x63: {  	_ =	shalt  }
0x64: {  	_ =	shalt  }
0x65: {  	_ =	shalt  }
0x66: {  	_ =	shalt  }
0x67: {  	_ =	shalt  }
0x68: {  	_ =	shalt  }
0x69: {  	_ =	shalt  }
0x6a: {  	_ =	shalt  }
0x6b: {  	_ =	shalt  }
0x6c: {  	_ =	shalt  }
0x6d: {  	_ =	shalt  }
0x6e: {  	_ =	shalt  }
0x6f: {  	_ =	shalt  }
0x70: {  	_ =	shalt  }
0x71: {  	_ =	shalt  }
0x72: {  	_ =	shalt  }
0x73: {  	_ =	shalt  }
0x74: {  	_ =	shalt  }
0x75: {  	_ =	shalt  }
0x76: {  	_ =	shalt  }
0x77: {  	_ =	shalt  }
0x78: {  	_ =	shalt  }
0x79: {  	_ =	shalt  }
0x7a: {  	_ =	shalt  }
0x7b: {  	_ =	shalt  }
0x7c: {  	_ =	shalt  }
0x7d: {  	_ =	shalt  }
0x7e: {  	_ =	shalt  }
0x7f: {  	_ =	shalt  }
0x80: {  	_ =	shalt  }
0x81: {  	_ =	shalt  }
0x82: {  	_ =	shalt  }
0x83: {  	_ =	shalt  }
0x84: {  	_ =	shalt  }
0x85: {  	_ =	shalt  }
0x86: {  	_ =	shalt  }
0x87: {  	_ =	shalt  }
.Lfunc_end0:
.L_simem_size_0:
called_computation.1_lowered:
.L_overlay_start_0:
0x88: {  	s2 =	sld [smem:$0x3FD9]  }
0x89: {  	s3 =	sld [smem:$0x3FFE];
	_ =	sdelay $0x1  }
0x8a: {  	s1 =	srdreg.scid  }
0x8b: {  	s0 =	sand.u32 $0x1, s1  }
0x8c: {  	s16 =	sshll.u32 s0, $0xA;
	s2 =	sadd.s32 s3, s2  }
0x8d: {  	s2 =	sadd.s32 s2, s16  }
0x8e: {  	[smem:$0x3FAF] =	sst s2  }
0x8f: {  	_ = 	snop  }
0x90: {  	(tm) =	ssettm $0x1  }
0x91: {  	s17 =	sld [smem:$0x3FFB];
	_ =	sdelay $0x3  }
0x92: {  	_ =	strace s17  }
0x93: {  	s2 =	sld [smem:$0x3FFC];
	_ =	sdelay $0x3  }
0x94: {  	_ =	strace s2  }
0x95: {  	s2 =	sld [smem:$0x3FFD];
	_ =	sdelay $0x3  }
0x96: {  	_ =	strace s2  }
0x97: {  	_ =	strace $0x8FFFFFFF  }
0x98: {  	s18 =	sld [smem:$0x3FDB];
	_ =	sdelay $0x1  }
0x99: {  	s19 =	simm.s32 $_scs_section_size  }
0x9a: {  	s4 =	simm.s32 $_size__tile_overlayer_lowered;
	s5 =	simm.s32 $_tile_overlayer_lowered  }
0x9b: {  	s22 =	simm.s32 $0x1BFF;
	s21 =	sshll.u32 s5, $0x1;
	s2 =	sadd.s32 s19, s18  }
0x9c: {  	s6 =	simm.s32 $0x0;
	s20 =	sshll.u32 s4, $0x1;
	s4 =	sadd.s32 s21, s2  }
0x9d: {  	[timem:s6], [sflag:s22] =	dma.local [hbm:s4], s20  }
0x9e: {  	_ =	swait.ge [sflag:s22], s20  }
0x9f: {  	s3 =	ssub.s32 $0x0, s20;
	[sflag:s22] =	ssyncset.done $0x0  }
0xa0: {  	[sflag:s22] =	ssyncadd.s32 s3;
	_ =	sdelay $0x1  }
0xa1: {  	s23 =	simm.s32 $0x1B8B  }
0xa2: {  	_ =	swait.ge [sflag:s23], $0x1  }
0xa3: {  	[sflag:s23] =	ssyncset.done $0x0  }
0xa4: {  	s25 =	simm.s32 $0x1B8E;
	s24 =	sld [smem:$0x3FFE];
	[sflag:s23] =	ssyncadd.s32 $0xFFFFFFFF  }
0xa5: {  	s26 =	simm.s32 $execute0_lowered;
	[smem:$0x3FD2] =	sst s25  }
0xa6: {  	s4 =	sshll.u32 s26, $0x1;
	_ =	strace $0x80000049;
	[dreg:$0x1] =	wrdreg $0xFFFFFFFF  }
0xa7: {  	s28 =	simm.s32 $_size_execute0_lowered;
	s2 =	sadd.s32 s2, s4;
	[dreg:$0x0] =	wrdreg $0x0  }
0xa8: {  	s4 =	sshll.u32 s28, $0x1;
	[dreg:$0x2] =	wrdreg s2  }
0xa9: {  	[dreg:$0x3] =	wrdreg s4  }
0xaa: {  	[dreg:$0x4] =	wrdreg $0xC0  }
0xab: {  	_ =	task [dreg:s6], $0x5FFFF  }
0xac: {  	[dreg:$0x1] =	wrdreg $0xFFFFFFFF  }
0xad: {  	[dreg:$0x0] =	wrdreg $0x60  }
0xae: {  	[dreg:$0x2] =	wrdreg s24  }
0xaf: {  	[dreg:$0x3] =	wrdreg $0x41800  }
0xb0: {  	[dreg:$0x4] =	wrdreg $0x9  }
0xb1: {  	_ =	task.clear_ibuf [dreg:s6], $0x5FFFF;
	_ =	strace $0x90000049  }
0xb2: {  	s29 =	simm.s32 $0x9;
	_ =	strace $0x8000004B  }
0xb3: {  	_ =	swait.ge [sflag:s29], $0x1  }
0xb4: {  	[sflag:s29] =	ssyncadd.s32 $0xFFFFFFFF  }
0xb5: {  	_ =	strace $0x9000004B  }
0xb6: {  	_ =	sfence  }
0xb7: {  	s30 =	sld [smem:$0x0];
	_ =	sdelay $0x2  }
0xb8: {  	s31 =	sshll.u32 s1, $0xD;
	s1 =	sshrl.u32 s1, $0x2  }
0xb9: {  	s3 =	sand.u32 $0x4000, s31;
	s1 =	sadd.s32 s1, s30  }
0xba: {  	s0 =	sor.u32 s3, s0;
	s1 =	sshll.u32 s1, $0x11  }
0xbb: {  	s0 =	sor.u32 s1, s0  }
0xbc: {  	s0 =	sadd.s32 $0x8F2B, s0  }
0xbd: {  	[sflag:s0] =	ssyncadd.remote.s32 $0x1  }
0xbe: {  	_ =	sfence.sel $0xFFFF  }
0xbf: {  	[dreg:$0x0] =	wrdreg $0xFFFFFFFF;
	(pc) =	sbr.abs _section_cstart, $3  }
0xc0: {  	[dreg:$0x1] =	wrdreg $0xFFFFFFFF  }
0xc1: {  	_ =	task.clear_ibuf [dreg:s6], $0x2FFFF;
	_ =	strace $0x9FFFFFFF  }
0xc2: {  	(tm) =	ssettm $0x7FFFFFFF  }
0xc3: {  	_ =	shalt  }
tec
execute0_lowered:
.L_overlay_start_1:
0x0: {  	(tag) =	ssettag $0x1  }
0x1: {  	s8 =	rddreg [dreg:$0x0]  }
0x2: {  	s2 =	rddreg [dreg:$0x1]  }
0x3: {  	s0 =	rddreg [dreg:$0x2]  }
0x4: {  	s3 =	simm.s32 $0x0;
	s4 =	srdreg.scid;
	s1 =	stileid.u32  }
0x5: {  	s14 =	simm.s32 $0x100;
	s15 =	simm.s32 $0x80;
	s17 =	simm.s32 $0x1  }
0x6: {  	s18 =	simm.s32 $0x0;
	[smem:$0x7FF] =	sst s3;
	s7 =	smul.u32 $0x2780, s1  }
0x7: {  	s9 =	sand.u32 $0x1, s4;
	s4 =	sadd.s32 $0x1C200, s8;
	s13 =	smul.u32 $0x4F000, s1  }
0x8: {  	s5 =	sadd.s32 $0xBA200, s8;
	s6 =	sadd.s32 $0xC4200, s8;
	s10 =	smul.u32 $0x27800, s9  }
0x9: {  	s30 =	sshll.u32 s1, $0x6;
	s11 =	ssub.s32 $0x2, s9;
	s16 =	smul.u32 $0x2710, s9  }
0xa: {  	_ =	strace $0x8000004A;
	s9 =	smul.u32 $0x5000, s1;
	s12 =	sshrl.u32 s11, $0x1  }
0xb: {  	s29 =	sshrl.u32 s13, $0x2;
	s13 =	simm.s32 $0x2;
	s10 =	sadd.s32 s7, s10  }
0xc: {  	s7 =	sadd.s32 $0x19A00, s8;
	s11 =	ssub.s32 s11, s12;
	s31 =	sadd.s32 s29, s2  }
0xd: {  	v0 =	vmov s16;
	s16 =	simm.s32 $0x180;
	s10 =	sadd.s32 s10, s8;
	s8 =	sor.u32 $0x1C02, s30  }
0xe: {  	s11 =	smax.u32 s11, $0x1;
	s12 =	sshrl.u32 s31, $0x3;
	s10 =	sadd.s32 $0xCE200, s10  }
.LBB2_1:
0xf: {  	[spmem:s12], [sflag:s8] =	dma.local [hbm:s7], $0x2780  }
0x10: {  	s19 =	sand.u32 $0x7C00, s3  }
0x11: {  	s20 =	sand.u32 $0x380, s3;
	_ =	swait.ge [sflag:s13], $0x2780;
	s19 =	sadd.s32 s9, s19  }
0x12: {  	[sflag:s13] =	ssyncset.done $0x0;
	s19 =	sor.u32 s20, s19  }
0x13: {  	[sflag:s13] =	ssyncadd.s32 $0xFFFFD880;
	s19 =	sshrl.u32 s19, $0x3  }
0x14: {  	[bflag:$0x0] =	sbarrier.arrive $0xFFFF;
	s31 =	sadd.s32 s5, s19  }
0x15: {  	[tilespmem:s3], [sflag:$0x2] =	stream.linear.gather [hbm4b:s31+s3], $0x80, $0x38;
	[tilespmem:$0x17D80] =	vst v63  }
0x16: {  	_ =	swait.ge [sflag:s13], $0x80  }
0x17: {  	[sflag:s13] =	ssyncset.done $0x0  }
0x18: {  	s19 =	sadd.s32 s6, s19;
	[sflag:s13] =	ssyncadd.s32 $0xFFFFFF80  }
0x19: {  	[tilespmem:s14], [sflag:$0x2] =	stream.linear.gather [hbm4b:s19+s3], $0x80, $0x38;
	[tilespmem:$0x17D80] =	vst v63  }
0x1a: {  	_ =	swait.ge [sflag:s13], $0x80  }
0x1b: {  	[sflag:s13] =	ssyncset.done $0x0  }
0x1c: {  	[sflag:s13] =	ssyncadd.s32 $0xFFFFFF80  }
0x1d: {  	v1 =	vld [tilespmem:$0x70]  }
0x1e: {  	v2 =	vld [tilespmem:$0x50]  }
0x1f: {  	v3 =	vld [tilespmem:$0x60]  }
0x20: {  	v4 =	vld [tilespmem:$0x40]  }
0x21: {  	v5 =	vld [tilespmem:$0x30]  }
0x22: {  	v6 =	vld [tilespmem:$0x20];
	v1 =	vadd.s32 v0, v1  }
0x23: {  	v7 =	vld [tilespmem:$0x10];
	v2 =	vadd.s32 v0, v2;
	[tilespmem:$0xF0] =	vst v1  }
0x24: {  	v1 =	vld [tilespmem:$0x0];
	[tilespmem:$0xD0] =	vst v2;
	v2 =	vadd.s32 v0, v3  }
0x25: {  	v3 =	vadd.s32 v0, v4;
	[tilespmem:$0xE0] =	vst v2  }
0x26: {  	v2 =	vadd.s32 v0, v5;
	[tilespmem:$0xC0] =	vst v3  }
0x27: {  	v3 =	vadd.s32 v0, v6;
	[tilespmem:$0xB0] =	vst v2  }
0x28: {  	v2 =	vadd.s32 v0, v7;
	[tilespmem:$0xA0] =	vst v3  }
0x29: {  	[tilespmem:$0x90] =	vst v2;
	v1 =	vadd.s32 v0, v1  }
0x2a: {  	s19 =	simm.s32 $0x80;
	[tilespmem:$0x80] =	vst v1  }
.LBB2_2:
0x2b: {  	[tilespmem:s16], [sflag:$0x1] =	stream.indirect.gather [hbm4b:s4+s15], $0x80, s15, s15, $0xb8;
	[tilespmem:$0x17D80] =	vst v63  }
0x2c: {  	s20 =	smov.u32 s19  }
0x2d: {  	p0 =	sne.s32 s19, $0x4E00;
	s19 =	sadd.s32 $0x80, s19;
	_ =	swait.ge [sflag:s17], $0x4000  }
0x2e: {  	s21 =	sand.u32 $0x7C00, s20;
	[sflag:s17] =	ssyncset.done $0x0  }
0x2f: {  	s20 =	sand.u32 $0x380, s20;
	s21 =	sadd.s32 s9, s21;
	[sflag:s17] =	ssyncadd.s32 $0xFFFFC000  }
0x30: {  	[spmem:s2] =	stream.indirect.scatter.add.f32 [tilespmem:s16], [sflag:$0x2], $0x80, s14, s15, $0xb8;
	[tilespmem:$0x17D80] =	vst v63  }
0x31: {  	s20 =	sor.u32 s20, s21;
	_ =	swait.ge [sflag:s13], $0x4000  }
0x32: {  	s20 =	sshrl.u32 s20, $0x3;
	[sflag:s13] =	ssyncset.done $0x0  }
0x33: {  	s21 =	sadd.s32 s5, s20;
	[sflag:s13] =	ssyncadd.s32 $0xFFFFC000  }
0x34: {  	[tilespmem:s3], [sflag:$0x2] =	stream.linear.gather [hbm4b:s21+s3], $0x80, $0x38;
	[tilespmem:$0x17D80] =	vst v63  }
0x35: {  	_ =	swait.ge [sflag:s13], $0x80  }
0x36: {  	[sflag:s13] =	ssyncset.done $0x0  }
0x37: {  	s20 =	sadd.s32 s6, s20;
	[sflag:s13] =	ssyncadd.s32 $0xFFFFFF80  }
0x38: {  	[tilespmem:s14], [sflag:$0x2] =	stream.linear.gather [hbm4b:s20+s3], $0x80, $0x38;
	[tilespmem:$0x17D80] =	vst v63  }
0x39: {  	_ =	swait.ge [sflag:s13], $0x80  }
0x3a: {  	[sflag:s13] =	ssyncset.done $0x0  }
0x3b: {  	[sflag:s13] =	ssyncadd.s32 $0xFFFFFF80  }
0x3c: {  	v1 =	vld [tilespmem:$0x70]  }
0x3d: {  	v2 =	vld [tilespmem:$0x50]  }
0x3e: {  	v3 =	vld [tilespmem:$0x60]  }
0x3f: {  	v4 =	vld [tilespmem:$0x40]  }
0x40: {  	v5 =	vld [tilespmem:$0x30]  }
0x41: {  	v6 =	vld [tilespmem:$0x20];
	v1 =	vadd.s32 v0, v1  }
0x42: {  	v7 =	vld [tilespmem:$0x10];
	v2 =	vadd.s32 v0, v2;
	[tilespmem:$0xF0] =	vst v1  }
0x43: {  	v1 =	vld [tilespmem:$0x0];
	[tilespmem:$0xD0] =	vst v2;
	v2 =	vadd.s32 v0, v3  }
0x44: {  	v3 =	vadd.s32 v0, v4;
	[tilespmem:$0xE0] =	vst v2  }
.Ltmp0:
0x45: {  	v2 =	vadd.s32 v0, v5;
	[tilespmem:$0xC0] =	vst v3;
	(pc) =	sbr.rel @p0 .LBB2_2-.Ltmp0, $4  }
0x46: {  	v3 =	vadd.s32 v0, v6;
	[tilespmem:$0xB0] =	vst v2  }
0x47: {  	v2 =	vadd.s32 v0, v7;
	[tilespmem:$0xA0] =	vst v3  }
0x48: {  	v1 =	vadd.s32 v0, v1;
	[tilespmem:$0x90] =	vst v2  }
0x49: {  	[tilespmem:$0x80] =	vst v1  }
0x4a: {  	[tilespmem:s16], [sflag:$0x1] =	stream.indirect.gather [hbm4b:s4+s15], $0x80, s15, s15, $0xb8;
	[tilespmem:$0x17D80] =	vst v63  }
0x4b: {  	_ =	swait.ge [sflag:s17], $0x4000  }
0x4c: {  	[sflag:s17] =	ssyncset.done $0x0  }
0x4d: {  	[sflag:s17] =	ssyncadd.s32 $0xFFFFC000  }
0x4e: {  	[spmem:s2] =	stream.indirect.scatter.add.f32 [tilespmem:s16], [sflag:$0x2], $0x80, s14, s15, $0xb8;
	[tilespmem:$0x17D80] =	vst v63  }
0x4f: {  	_ =	swait.ge [sflag:s13], $0x4000  }
0x50: {  	s18 =	sadd.s32 $0x1, s18;
	[sflag:s13] =	ssyncset.done $0x0  }
0x51: {  	p0 =	sne.s32 s18, s11;
	[sflag:s13] =	ssyncadd.s32 $0xFFFFC000  }
.Ltmp1:
0x52: {  	[bflag:$0x0] =	sbarrier.arrive $0xFFFF;
	(pc) =	sbr.rel @p0 .LBB2_1-.Ltmp1, $4  }
0x53: {  	[hbm:s10], [sflag:s8] =	dma.local [spmem:s12], $0x2780  }
0x54: {  	_ =	swait.ge [sflag:s13], $0x2780  }
0x55: {  	[sflag:s13] =	ssyncset.done $0x0  }
0x56: {  	[sflag:s13] =	ssyncadd.s32 $0xFFFFD880  }
0x57: {  	_ =	sfence.sel $0x180000  }
0x58: {  	[bflag:$0x0] =	sbarrier.arrive $0xFFFF  }
0x59: {  	p0 =	sne.s32 s1, $0x0;
	_ =	strace $0x9000004A  }
0x5a: {  	s0 =	sadd.s32 @!p0 $0x100000, s0;
	[bflag:$0x2] =	sbarrier.arrive $0xFFFF  }
0x5b: {  	[sflag:s0] =	ssyncadd.tile.s32 @!p0 $0x1;
	_ =	shalt  }
.Lfunc_end2:
_tile_overlayer_lowered:
.L_overlay_start_2:
0x5c: {  	(tag) =	ssettag $0x2  }
0x5d: {  	s0 =	rddreg [dreg:$0x0];
	s2 =	stileid.u32  }
0x5e: {  	s1 =	rddreg [dreg:$0x1];
	p0 =	sne.s32 s2, $0x0  }
0x5f: {  	s3 =	rddreg [dreg:$0x2];
	[bflag:$0x3] =	sbarrier.arrive $0xFFFF;
	s2 =	simm.s32 @!p0 $0x1C02  }
0x60: {  	[timem:s3], [sflag:s2] =	dma.local @!p0 [hbm:s0], s1  }
0x61: {  	s0 =	simm.s32 @!p0 $0x2  }
0x62: {  	_ =	swait.ge @!p0 [sflag:s0], s1  }
0x63: {  	s1 =	ssub.s32 @!p0 $0x0, s1;
	[sflag:s0] =	ssyncset.done @!p0 $0x0  }
0x64: {  	[sflag:s0] =	ssyncadd.s32 @!p0 s1  }
0x65: {  	[bflag:$0x3] =	sbarrier.arrive $0xFFFF  }
0x66: {  	_ =	shalt  }

// kernel: kernel.14.cloned.1.call-start
scs
__scs_entry_jumppad:
0x0: {  	(pc) =	sbr.rel $0x88, $3  }
0x1: {  	(tag) =	ssettag $0x0;
	lr =	simm.s32 $0x1  }
0x2: {  	[smem:$0x3F88] =	sst lr;
	_ =	strace $0xD0000000  }
0x3: {  	_ = 	snop  }
0x4: {  	_ = 	snop  }
0x5: {  	_ = 	snop  }
0x6: {  	_ = 	snop  }
0x7: {  	_ = 	snop  }
__scs_overlays_trampoline_lowered:
0x8: {  	[smem:$0x3F97] =	sst s0  }
0x9: {  	[smem:$0x3F98] =	sst s1  }
0xa: {  	[smem:$0x3F99] =	sst s2  }
0xb: {  	[smem:$0x3F9A] =	sst s3  }
0xc: {  	[smem:$0x3F9B] =	sst s4  }
0xd: {  	[smem:$0x3F9C] =	sst s5  }
0xe: {  	[smem:$0x3F9D] =	sst s6  }
0xf: {  	[smem:$0x3F9E] =	sst s7  }
0x10: {  	[smem:$0x3F9F] =	sst s8  }
0x11: {  	[smem:$0x3FA0] =	sst s9;
	s0 =	simm.s32 @!p0 $0x0  }
0x12: {  	s1 =	sld [smem:$0x3F86];
	s0 =	simm.s32 @p0 $0x1  }
0x13: {  	[smem:$0x3FA1] =	sst s0;
	s0 =	simm.s32 @!p1 $0x0  }
0x14: {  	s2 =	sld [smem:$0x3F85];
	s0 =	simm.s32 @p1 $0x1  }
0x15: {  	[smem:$0x3FA2] =	sst s0;
	s0 =	simm.s32 @!p2 $0x0  }
0x16: {  	s3 =	sld [smem:$0x3FDB];
	s0 =	simm.s32 @p2 $0x1  }
0x17: {  	s4 =	simm.s32 $0x1BF5;
	[smem:$0x3FA4] =	sst s0  }
0x18: {  	s0 =	sld [smem:$0x3F87];
	_ =	swait.ge [sflag:s4], $0x0  }
0x19: {  	s7 =	sld [smem:$0x3F88]  }
0x1a: {  	s8 =	sadd.s32 $0xFFFFE003, lr  }
0x1b: {  	s9 =	sadd.s32 $0xFFFFFEF7, lr;
	s5 =	simm.s32 $0xFFFFFFFF;
	p2 =	slt.u32 s8, $0xFFFFF086  }
0x1c: {  	p1 =	slt.u32 s9, $0xF7A;
	s5 =	simm.s32 @!p2 $0x0  }
0x1d: {  	s5 =	simm.s32 @p1 $0x1;
	p0 =	seq.s32 s7, s2  }
0x1e: {  	s7 =	smul.u32 @!p0 $0xF7A, s2;
	p2 =	seq.s32 @!p0 s5, $0x0  }
0x1f: {  	s9 =	smul.u32 $0xF7A, s1;
	s8 =	simm.s32 @!p0 $0x1BF5;
	p2 =	por !p2, p0  }
0x20: {  	[sflag:s8] =	ssyncset.s32 @!p0 $0xFFFFF086;
	s6 =	sadd.s32 @!p0 s3, s7;
	s7 =	simm.s32 @!p0 $0x108  }
0x21: {  	s3 =	sadd.s32 s3, s9;
	s6 =	sadd.s32 @!p0 $0x88, s6;
	s7 =	simm.s32 @p2 $0x1082  }
0x22: {  	[simem:s7], [sflag:s8] =	dma.local @!p0 [hbm:s6], $0xF7A  }
0x23: {  	s9 =	sor.u32 $0xD0000000, s2;
	s6 =	simm.s32 $0x108;
	_ =	swait.ge @!p0 [sflag:s8], $0x0  }
0x24: {  	s3 =	sadd.s32 $0x88, s3;
	s6 =	simm.s32 @!p1 $0x1082;
	[sflag:s4] =	ssyncset.s32 $0xFFFFF086  }
0x25: {  	[simem:s6], [sflag:s4] =	dma.local [hbm:s3], $0xF7A  }
0x26: {  	[smem:$0x3F88] =	sst s1;
	(tag) =	ssettag s2;
	_ =	strace s9  }
0x27: {  	s1 =	sld [smem:$0x3F98]  }
0x28: {  	s2 =	sld [smem:$0x3F99]  }
0x29: {  	s4 =	sld [smem:$0x3F9B]  }
0x2a: {  	p0 =	seq.s32 s5, $0x0;
	s5 =	sld [smem:$0x3F9C]  }
0x2b: {  	s6 =	sld [smem:$0x3F9D]  }
0x2c: {  	s7 =	sld [smem:$0x3F9E]  }
0x2d: {  	s3 =	simm.s32 $0x108;
	s8 =	sld [smem:$0x3F9F]  }
0x2e: {  	s3 =	simm.s32 @!p0 $0x1082;
	s9 =	sld [smem:$0x3FA0]  }
0x2f: {  	lr =	sadd.s32 s0, s3;
	s0 =	sld [smem:$0x3F97]  }
0x30: {  	s3 =	sld [smem:$0x3F9A]  }
0x31: {  	[smem:$0x3FA3] =	sst s10  }
0x32: {  	s10 =	sld [smem:$0x3FA1];
	_ =	sdelay $0x3  }
0x33: {  	p0 =	seq.s32 s10, $0x1;
	s10 =	sld [smem:$0x3FA3];
	_ =	sdelay $0x3  }
0x34: {  	[smem:$0x3FA3] =	sst s10  }
0x35: {  	s10 =	sld [smem:$0x3FA2];
	_ =	sdelay $0x3  }
0x36: {  	p1 =	seq.s32 s10, $0x1;
	s10 =	sld [smem:$0x3FA3];
	_ =	sdelay $0x3  }
0x37: {  	[smem:$0x3FA3] =	sst s10  }
0x38: {  	s10 =	sld [smem:$0x3FA4]  }
0x39: {  	_ = 	snop;
	(pc) =	sbr.ind lr, $3  }
0x3a: {  	_ = 	snop  }
0x3b: {  	_ = 	snop  }
0x3c: {  	p2 =	seq.s32 s10, $0x1;
	s10 =	sld [smem:$0x3FA3]  }
0x3d: {  	_ =	shalt  }
0x3e: {  	_ =	shalt  }
0x3f: {  	_ =	shalt  }
0x40: {  	_ =	shalt  }
0x41: {  	_ =	shalt  }
0x42: {  	_ =	shalt  }
0x43: {  	_ =	shalt  }
0x44: {  	_ =	shalt  }
0x45: {  	_ =	shalt  }
0x46: {  	_ =	shalt  }
0x47: {  	_ =	shalt  }
0x48: {  	_ =	shalt  }
0x49: {  	_ =	shalt  }
0x4a: {  	_ =	shalt  }
0x4b: {  	_ =	shalt  }
0x4c: {  	_ =	shalt  }
0x4d: {  	_ =	shalt  }
0x4e: {  	_ =	shalt  }
0x4f: {  	_ =	shalt  }
0x50: {  	_ =	shalt  }
0x51: {  	_ =	shalt  }
0x52: {  	_ =	shalt  }
0x53: {  	_ =	shalt  }
0x54: {  	_ =	shalt  }
0x55: {  	_ =	shalt  }
0x56: {  	_ =	shalt  }
0x57: {  	_ =	shalt  }
0x58: {  	_ =	shalt  }
0x59: {  	_ =	shalt  }
0x5a: {  	_ =	shalt  }
0x5b: {  	_ =	shalt  }
0x5c: {  	_ =	shalt  }
0x5d: {  	_ =	shalt  }
0x5e: {  	_ =	shalt  }
0x5f: {  	_ =	shalt  }
0x60: {  	_ =	shalt  }
0x61: {  	_ =	shalt  }
0x62: {  	_ =	shalt  }
0x63: {  	_ =	shalt  }
0x64: {  	_ =	shalt  }
0x65: {  	_ =	shalt  }
0x66: {  	_ =	shalt  }
0x67: {  	_ =	shalt  }
0x68: {  	_ =	shalt  }
0x69: {  	_ =	shalt  }
0x6a: {  	_ =	shalt  }
0x6b: {  	_ =	shalt  }
0x6c: {  	_ =	shalt  }
0x6d: {  	_ =	shalt  }
0x6e: {  	_ =	shalt  }
0x6f: {  	_ =	shalt  }
0x70: {  	_ =	shalt  }
0x71: {  	_ =	shalt  }
0x72: {  	_ =	shalt  }
0x73: {  	_ =	shalt  }
0x74: {  	_ =	shalt  }
0x75: {  	_ =	shalt  }
0x76: {  	_ =	shalt  }
0x77: {  	_ =	shalt  }
0x78: {  	_ =	shalt  }
0x79: {  	_ =	shalt  }
0x7a: {  	_ =	shalt  }
0x7b: {  	_ =	shalt  }
0x7c: {  	_ =	shalt  }
0x7d: {  	_ =	shalt  }
0x7e: {  	_ =	shalt  }
0x7f: {  	_ =	shalt  }
0x80: {  	_ =	shalt  }
0x81: {  	_ =	shalt  }
0x82: {  	_ =	shalt  }
0x83: {  	_ =	shalt  }
0x84: {  	_ =	shalt  }
0x85: {  	_ =	shalt  }
0x86: {  	_ =	shalt  }
0x87: {  	_ =	shalt  }
.Lfunc_end0:
.L_simem_size_0:
called_computation.2_lowered:
.L_overlay_start_0:
0x88: {  	s2 =	sld [smem:$0x3FD9]  }
0x89: {  	s3 =	sld [smem:$0x3FFE];
	_ =	sdelay $0x1  }
0x8a: {  	s1 =	srdreg.scid  }
0x8b: {  	s0 =	sand.u32 $0x1, s1  }
0x8c: {  	s16 =	sshll.u32 s0, $0xA;
	s2 =	sadd.s32 s3, s2  }
0x8d: {  	s2 =	sadd.s32 s2, s16  }
0x8e: {  	[smem:$0x3FAF] =	sst s2  }
0x8f: {  	_ = 	snop  }
0x90: {  	(tm) =	ssettm $0x1  }
0x91: {  	s17 =	sld [smem:$0x3FFB];
	_ =	sdelay $0x3  }
0x92: {  	_ =	strace s17  }
0x93: {  	s2 =	sld [smem:$0x3FFC];
	_ =	sdelay $0x3  }
0x94: {  	_ =	strace s2  }
0x95: {  	s2 =	sld [smem:$0x3FFD];
	_ =	sdelay $0x3  }
0x96: {  	_ =	strace s2  }
0x97: {  	_ =	strace $0x8FFFFFFF  }
0x98: {  	s18 =	sld [smem:$0x3FDB];
	_ =	sdelay $0x1  }
0x99: {  	s19 =	simm.s32 $_scs_section_size  }
0x9a: {  	s4 =	simm.s32 $_size__tile_overlayer_lowered;
	s5 =	simm.s32 $_tile_overlayer_lowered  }
0x9b: {  	s22 =	simm.s32 $0x1BFF;
	s21 =	sshll.u32 s5, $0x1;
	s2 =	sadd.s32 s19, s18  }
0x9c: {  	s6 =	simm.s32 $0x0;
	s20 =	sshll.u32 s4, $0x1;
	s4 =	sadd.s32 s21, s2  }
0x9d: {  	[timem:s6], [sflag:s22] =	dma.local [hbm:s4], s20  }
0x9e: {  	_ =	swait.ge [sflag:s22], s20  }
0x9f: {  	s3 =	ssub.s32 $0x0, s20;
	[sflag:s22] =	ssyncset.done $0x0  }
0xa0: {  	[sflag:s22] =	ssyncadd.s32 s3;
	_ =	sdelay $0x1  }
0xa1: {  	s23 =	simm.s32 $0x1B8B  }
0xa2: {  	_ =	swait.ge [sflag:s23], $0x1  }
0xa3: {  	[sflag:s23] =	ssyncset.done $0x0  }
0xa4: {  	s25 =	simm.s32 $0x1B8E;
	s24 =	sld [smem:$0x3FFE];
	[sflag:s23] =	ssyncadd.s32 $0xFFFFFFFF  }
0xa5: {  	s26 =	simm.s32 $execute0_lowered;
	[smem:$0x3FD2] =	sst s25  }
0xa6: {  	s4 =	sshll.u32 s26, $0x1;
	_ =	strace $0x8000004C;
	[dreg:$0x1] =	wrdreg $0xFFFFFFFF  }
0xa7: {  	s28 =	simm.s32 $_size_execute0_lowered;
	s2 =	sadd.s32 s2, s4;
	[dreg:$0x0] =	wrdreg $0x0  }
0xa8: {  	s4 =	sshll.u32 s28, $0x1;
	[dreg:$0x2] =	wrdreg s2  }
0xa9: {  	[dreg:$0x3] =	wrdreg s4  }
0xaa: {  	[dreg:$0x4] =	wrdreg $0xC0  }
0xab: {  	_ =	task [dreg:s6], $0x5FFFF  }
0xac: {  	[dreg:$0x1] =	wrdreg $0xFFFFFFFF  }
0xad: {  	[dreg:$0x0] =	wrdreg $0x60  }
0xae: {  	[dreg:$0x2] =	wrdreg s24  }
0xaf: {  	[dreg:$0x3] =	wrdreg $0x41800  }
0xb0: {  	[dreg:$0x4] =	wrdreg $0x9  }
0xb1: {  	_ =	task.clear_ibuf [dreg:s6], $0x5FFFF;
	_ =	strace $0x9000004C  }
0xb2: {  	s29 =	simm.s32 $0x9;
	_ =	strace $0x8000004E  }
0xb3: {  	_ =	swait.ge [sflag:s29], $0x1  }
0xb4: {  	[sflag:s29] =	ssyncadd.s32 $0xFFFFFFFF  }
0xb5: {  	_ =	strace $0x9000004E  }
0xb6: {  	_ =	sfence  }
0xb7: {  	s30 =	sld [smem:$0x0];
	_ =	sdelay $0x2  }
0xb8: {  	s31 =	sshll.u32 s1, $0xD;
	s1 =	sshrl.u32 s1, $0x2  }
0xb9: {  	s3 =	sand.u32 $0x4000, s31;
	s1 =	sadd.s32 s1, s30  }
0xba: {  	s0 =	sor.u32 s3, s0;
	s1 =	sshll.u32 s1, $0x11  }
0xbb: {  	s0 =	sor.u32 s1, s0  }
0xbc: {  	s0 =	sadd.s32 $0x8F2B, s0  }
0xbd: {  	[sflag:s0] =	ssyncadd.remote.s32 $0x1  }
0xbe: {  	_ =	sfence.sel $0xFFFF  }
0xbf: {  	[dreg:$0x0] =	wrdreg $0xFFFFFFFF;
	(pc) =	sbr.abs _section_cstart, $3  }
0xc0: {  	[dreg:$0x1] =	wrdreg $0xFFFFFFFF  }
0xc1: {  	_ =	task.clear_ibuf [dreg:s6], $0x2FFFF;
	_ =	strace $0x9FFFFFFF  }
0xc2: {  	(tm) =	ssettm $0x7FFFFFFF  }
0xc3: {  	_ =	shalt  }
tec
execute0_lowered:
.L_overlay_start_1:
0x0: {  	(tag) =	ssettag $0x1  }
0x1: {  	s8 =	rddreg [dreg:$0x0]  }
0x2: {  	s2 =	rddreg [dreg:$0x1]  }
0x3: {  	s0 =	rddreg [dreg:$0x2]  }
0x4: {  	s3 =	simm.s32 $0x0;
	s4 =	srdreg.scid;
	s1 =	stileid.u32  }
0x5: {  	s14 =	simm.s32 $0x100;
	s15 =	simm.s32 $0x80;
	s17 =	simm.s32 $0x1  }
0x6: {  	s18 =	simm.s32 $0x0;
	[smem:$0x7FF] =	sst s3;
	s7 =	smul.u32 $0x2780, s1  }
0x7: {  	s9 =	sand.u32 $0x1, s4;
	s4 =	sadd.s32 $0x1C200, s8;
	s13 =	smul.u32 $0x4F000, s1  }
0x8: {  	s5 =	sadd.s32 $0xBA200, s8;
	s6 =	sadd.s32 $0xC4200, s8;
	s10 =	smul.u32 $0x27800, s9  }
0x9: {  	s30 =	sshll.u32 s1, $0x6;
	s11 =	ssub.s32 $0x2, s9;
	s16 =	smul.u32 $0x2710, s9  }
0xa: {  	_ =	strace $0x8000004D;
	s9 =	smul.u32 $0x5000, s1;
	s12 =	sshrl.u32 s11, $0x1  }
0xb: {  	s29 =	sshrl.u32 s13, $0x2;
	s13 =	simm.s32 $0x2;
	s10 =	sadd.s32 s7, s10  }
0xc: {  	s7 =	sadd.s32 $0x19A00, s8;
	s11 =	ssub.s32 s11, s12;
	s31 =	sadd.s32 s29, s2  }
0xd: {  	v0 =	vmov s16;
	s16 =	simm.s32 $0x180;
	s10 =	sadd.s32 s10, s8;
	s8 =	sor.u32 $0x1C02, s30  }
0xe: {  	s11 =	smax.u32 s11, $0x1;
	s12 =	sshrl.u32 s31, $0x3;
	s10 =	sadd.s32 $0xCE200, s10  }
.LBB2_1:
0xf: {  	[spmem:s12], [sflag:s8] =	dma.local [hbm:s7], $0x2780  }
0x10: {  	s19 =	sand.u32 $0x7C00, s3  }
0x11: {  	s20 =	sand.u32 $0x380, s3;
	_ =	swait.ge [sflag:s13], $0x2780;
	s19 =	sadd.s32 s9, s19  }
0x12: {  	[sflag:s13] =	ssyncset.done $0x0;
	s19 =	sor.u32 s20, s19  }
0x13: {  	[sflag:s13] =	ssyncadd.s32 $0xFFFFD880;
	s19 =	sshrl.u32 s19, $0x3  }
0x14: {  	[bflag:$0x0] =	sbarrier.arrive $0xFFFF;
	s31 =	sadd.s32 s5, s19  }
0x15: {  	[tilespmem:s3], [sflag:$0x2] =	stream.linear.gather [hbm4b:s31+s3], $0x80, $0x38;
	[tilespmem:$0x17D80] =	vst v63  }
0x16: {  	_ =	swait.ge [sflag:s13], $0x80  }
0x17: {  	[sflag:s13] =	ssyncset.done $0x0  }
0x18: {  	s19 =	sadd.s32 s6, s19;
	[sflag:s13] =	ssyncadd.s32 $0xFFFFFF80  }
0x19: {  	[tilespmem:s14], [sflag:$0x2] =	stream.linear.gather [hbm4b:s19+s3], $0x80, $0x38;
	[tilespmem:$0x17D80] =	vst v63  }
0x1a: {  	_ =	swait.ge [sflag:s13], $0x80  }
0x1b: {  	[sflag:s13] =	ssyncset.done $0x0  }
0x1c: {  	[sflag:s13] =	ssyncadd.s32 $0xFFFFFF80  }
0x1d: {  	v1 =	vld [tilespmem:$0x70]  }
0x1e: {  	v2 =	vld [tilespmem:$0x50]  }
0x1f: {  	v3 =	vld [tilespmem:$0x60]  }
0x20: {  	v4 =	vld [tilespmem:$0x40]  }
0x21: {  	v5 =	vld [tilespmem:$0x30]  }
0x22: {  	v6 =	vld [tilespmem:$0x20];
	v1 =	vadd.s32 v0, v1  }
0x23: {  	v7 =	vld [tilespmem:$0x10];
	v2 =	vadd.s32 v0, v2;
	[tilespmem:$0xF0] =	vst v1  }
0x24: {  	v1 =	vld [tilespmem:$0x0];
	[tilespmem:$0xD0] =	vst v2;
	v2 =	vadd.s32 v0, v3  }
0x25: {  	v3 =	vadd.s32 v0, v4;
	[tilespmem:$0xE0] =	vst v2  }
0x26: {  	v2 =	vadd.s32 v0, v5;
	[tilespmem:$0xC0] =	vst v3  }
0x27: {  	v3 =	vadd.s32 v0, v6;
	[tilespmem:$0xB0] =	vst v2  }
0x28: {  	v2 =	vadd.s32 v0, v7;
	[tilespmem:$0xA0] =	vst v3  }
0x29: {  	[tilespmem:$0x90] =	vst v2;
	v1 =	vadd.s32 v0, v1  }
0x2a: {  	s19 =	simm.s32 $0x80;
	[tilespmem:$0x80] =	vst v1  }
.LBB2_2:
0x2b: {  	[tilespmem:s16], [sflag:$0x1] =	stream.indirect.gather [hbm4b:s4+s15], $0x80, s15, s15, $0xb8;
	[tilespmem:$0x17D80] =	vst v63  }
0x2c: {  	s20 =	smov.u32 s19  }
0x2d: {  	p0 =	sne.s32 s19, $0x4E00;
	s19 =	sadd.s32 $0x80, s19;
	_ =	swait.ge [sflag:s17], $0x4000  }
0x2e: {  	s21 =	sand.u32 $0x7C00, s20;
	[sflag:s17] =	ssyncset.done $0x0  }
0x2f: {  	s20 =	sand.u32 $0x380, s20;
	s21 =	sadd.s32 s9, s21;
	[sflag:s17] =	ssyncadd.s32 $0xFFFFC000  }
0x30: {  	[spmem:s2] =	stream.indirect.scatter.add.f32 [tilespmem:s16], [sflag:$0x2], $0x80, s14, s15, $0xb8;
	[tilespmem:$0x17D80] =	vst v63  }
0x31: {  	s20 =	sor.u32 s20, s21;
	_ =	swait.ge [sflag:s13], $0x4000  }
0x32: {  	s20 =	sshrl.u32 s20, $0x3;
	[sflag:s13] =	ssyncset.done $0x0  }
0x33: {  	s21 =	sadd.s32 s5, s20;
	[sflag:s13] =	ssyncadd.s32 $0xFFFFC000  }
0x34: {  	[tilespmem:s3], [sflag:$0x2] =	stream.linear.gather [hbm4b:s21+s3], $0x80, $0x38;
	[tilespmem:$0x17D80] =	vst v63  }
0x35: {  	_ =	swait.ge [sflag:s13], $0x80  }
0x36: {  	[sflag:s13] =	ssyncset.done $0x0  }
0x37: {  	s20 =	sadd.s32 s6, s20;
	[sflag:s13] =	ssyncadd.s32 $0xFFFFFF80  }
0x38: {  	[tilespmem:s14], [sflag:$0x2] =	stream.linear.gather [hbm4b:s20+s3], $0x80, $0x38;
	[tilespmem:$0x17D80] =	vst v63  }
0x39: {  	_ =	swait.ge [sflag:s13], $0x80  }
0x3a: {  	[sflag:s13] =	ssyncset.done $0x0  }
0x3b: {  	[sflag:s13] =	ssyncadd.s32 $0xFFFFFF80  }
0x3c: {  	v1 =	vld [tilespmem:$0x70]  }
0x3d: {  	v2 =	vld [tilespmem:$0x50]  }
0x3e: {  	v3 =	vld [tilespmem:$0x60]  }
0x3f: {  	v4 =	vld [tilespmem:$0x40]  }
0x40: {  	v5 =	vld [tilespmem:$0x30]  }
0x41: {  	v6 =	vld [tilespmem:$0x20];
	v1 =	vadd.s32 v0, v1  }
0x42: {  	v7 =	vld [tilespmem:$0x10];
	v2 =	vadd.s32 v0, v2;
	[tilespmem:$0xF0] =	vst v1  }
0x43: {  	v1 =	vld [tilespmem:$0x0];
	[tilespmem:$0xD0] =	vst v2;
	v2 =	vadd.s32 v0, v3  }
0x44: {  	v3 =	vadd.s32 v0, v4;
	[tilespmem:$0xE0] =	vst v2  }
.Ltmp0:
0x45: {  	v2 =	vadd.s32 v0, v5;
	[tilespmem:$0xC0] =	vst v3;
	(pc) =	sbr.rel @p0 .LBB2_2-.Ltmp0, $4  }
0x46: {  	v3 =	vadd.s32 v0, v6;
	[tilespmem:$0xB0] =	vst v2  }
0x47: {  	v2 =	vadd.s32 v0, v7;
	[tilespmem:$0xA0] =	vst v3  }
0x48: {  	v1 =	vadd.s32 v0, v1;
	[tilespmem:$0x90] =	vst v2  }
0x49: {  	[tilespmem:$0x80] =	vst v1  }
0x4a: {  	[tilespmem:s16], [sflag:$0x1] =	stream.indirect.gather [hbm4b:s4+s15], $0x80, s15, s15, $0xb8;
	[tilespmem:$0x17D80] =	vst v63  }
0x4b: {  	_ =	swait.ge [sflag:s17], $0x4000  }
0x4c: {  	[sflag:s17] =	ssyncset.done $0x0  }
0x4d: {  	[sflag:s17] =	ssyncadd.s32 $0xFFFFC000  }
0x4e: {  	[spmem:s2] =	stream.indirect.scatter.add.f32 [tilespmem:s16], [sflag:$0x2], $0x80, s14, s15, $0xb8;
	[tilespmem:$0x17D80] =	vst v63  }
0x4f: {  	_ =	swait.ge [sflag:s13], $0x4000  }
0x50: {  	s18 =	sadd.s32 $0x1, s18;
	[sflag:s13] =	ssyncset.done $0x0  }
0x51: {  	p0 =	sne.s32 s18, s11;
	[sflag:s13] =	ssyncadd.s32 $0xFFFFC000  }
.Ltmp1:
0x52: {  	[bflag:$0x0] =	sbarrier.arrive $0xFFFF;
	(pc) =	sbr.rel @p0 .LBB2_1-.Ltmp1, $4  }
0x53: {  	[hbm:s10], [sflag:s8] =	dma.local [spmem:s12], $0x2780  }
0x54: {  	_ =	swait.ge [sflag:s13], $0x2780  }
0x55: {  	[sflag:s13] =	ssyncset.done $0x0  }
0x56: {  	[sflag:s13] =	ssyncadd.s32 $0xFFFFD880  }
0x57: {  	_ =	sfence.sel $0x180000  }
0x58: {  	[bflag:$0x0] =	sbarrier.arrive $0xFFFF  }
0x59: {  	p0 =	sne.s32 s1, $0x0;
	_ =	strace $0x9000004D  }
0x5a: {  	s0 =	sadd.s32 @!p0 $0x100000, s0;
	[bflag:$0x2] =	sbarrier.arrive $0xFFFF  }
0x5b: {  	[sflag:s0] =	ssyncadd.tile.s32 @!p0 $0x1;
	_ =	shalt  }
.Lfunc_end2:
_tile_overlayer_lowered:
.L_overlay_start_2:
0x5c: {  	(tag) =	ssettag $0x2  }
0x5d: {  	s0 =	rddreg [dreg:$0x0];
	s2 =	stileid.u32  }
0x5e: {  	s1 =	rddreg [dreg:$0x1];
	p0 =	sne.s32 s2, $0x0  }
0x5f: {  	s3 =	rddreg [dreg:$0x2];
	[bflag:$0x3] =	sbarrier.arrive $0xFFFF;
	s2 =	simm.s32 @!p0 $0x1C02  }
0x60: {  	[timem:s3], [sflag:s2] =	dma.local @!p0 [hbm:s0], s1  }
0x61: {  	s0 =	simm.s32 @!p0 $0x2  }
0x62: {  	_ =	swait.ge @!p0 [sflag:s0], s1  }
0x63: {  	s1 =	ssub.s32 @!p0 $0x0, s1;
	[sflag:s0] =	ssyncset.done @!p0 $0x0  }
0x64: {  	[sflag:s0] =	ssyncadd.s32 @!p0 s1  }
0x65: {  	[bflag:$0x3] =	sbarrier.arrive $0xFFFF  }
0x66: {  	_ =	shalt  }

// kernel: kernel.8.cloned.1.call-start
scs
__scs_entry_jumppad:
0x0: {  	(pc) =	sbr.rel $0x88, $3  }
0x1: {  	(tag) =	ssettag $0x0;
	lr =	simm.s32 $0x1  }
0x2: {  	[smem:$0x3F88] =	sst lr;
	_ =	strace $0xD0000000  }
0x3: {  	_ = 	snop  }
0x4: {  	_ = 	snop  }
0x5: {  	_ = 	snop  }
0x6: {  	_ = 	snop  }
0x7: {  	_ = 	snop  }
__scs_overlays_trampoline_lowered:
0x8: {  	[smem:$0x3F97] =	sst s0  }
0x9: {  	[smem:$0x3F98] =	sst s1  }
0xa: {  	[smem:$0x3F99] =	sst s2  }
0xb: {  	[smem:$0x3F9A] =	sst s3  }
0xc: {  	[smem:$0x3F9B] =	sst s4  }
0xd: {  	[smem:$0x3F9C] =	sst s5  }
0xe: {  	[smem:$0x3F9D] =	sst s6  }
0xf: {  	[smem:$0x3F9E] =	sst s7  }
0x10: {  	[smem:$0x3F9F] =	sst s8  }
0x11: {  	[smem:$0x3FA0] =	sst s9;
	s0 =	simm.s32 @!p0 $0x0  }
0x12: {  	s1 =	sld [smem:$0x3F86];
	s0 =	simm.s32 @p0 $0x1  }
0x13: {  	[smem:$0x3FA1] =	sst s0;
	s0 =	simm.s32 @!p1 $0x0  }
0x14: {  	s2 =	sld [smem:$0x3F85];
	s0 =	simm.s32 @p1 $0x1  }
0x15: {  	[smem:$0x3FA2] =	sst s0;
	s0 =	simm.s32 @!p2 $0x0  }
0x16: {  	s3 =	sld [smem:$0x3FDB];
	s0 =	simm.s32 @p2 $0x1  }
0x17: {  	s4 =	simm.s32 $0x1BF5;
	[smem:$0x3FA4] =	sst s0  }
0x18: {  	s0 =	sld [smem:$0x3F87];
	_ =	swait.ge [sflag:s4], $0x0  }
0x19: {  	s7 =	sld [smem:$0x3F88]  }
0x1a: {  	s8 =	sadd.s32 $0xFFFFE003, lr  }
0x1b: {  	s9 =	sadd.s32 $0xFFFFFEF7, lr;
	s5 =	simm.s32 $0xFFFFFFFF;
	p2 =	slt.u32 s8, $0xFFFFF086  }
0x1c: {  	p1 =	slt.u32 s9, $0xF7A;
	s5 =	simm.s32 @!p2 $0x0  }
0x1d: {  	s5 =	simm.s32 @p1 $0x1;
	p0 =	seq.s32 s7, s2  }
0x1e: {  	s7 =	smul.u32 @!p0 $0xF7A, s2;
	p2 =	seq.s32 @!p0 s5, $0x0  }
0x1f: {  	s9 =	smul.u32 $0xF7A, s1;
	s8 =	simm.s32 @!p0 $0x1BF5;
	p2 =	por !p2, p0  }
0x20: {  	[sflag:s8] =	ssyncset.s32 @!p0 $0xFFFFF086;
	s6 =	sadd.s32 @!p0 s3, s7;
	s7 =	simm.s32 @!p0 $0x108  }
0x21: {  	s3 =	sadd.s32 s3, s9;
	s6 =	sadd.s32 @!p0 $0x88, s6;
	s7 =	simm.s32 @p2 $0x1082  }
0x22: {  	[simem:s7], [sflag:s8] =	dma.local @!p0 [hbm:s6], $0xF7A  }
0x23: {  	s9 =	sor.u32 $0xD0000000, s2;
	s6 =	simm.s32 $0x108;
	_ =	swait.ge @!p0 [sflag:s8], $0x0  }
0x24: {  	s3 =	sadd.s32 $0x88, s3;
	s6 =	simm.s32 @!p1 $0x1082;
	[sflag:s4] =	ssyncset.s32 $0xFFFFF086  }
0x25: {  	[simem:s6], [sflag:s4] =	dma.local [hbm:s3], $0xF7A  }
0x26: {  	[smem:$0x3F88] =	sst s1;
	(tag) =	ssettag s2;
	_ =	strace s9  }
0x27: {  	s1 =	sld [smem:$0x3F98]  }
0x28: {  	s2 =	sld [smem:$0x3F99]  }
0x29: {  	s4 =	sld [smem:$0x3F9B]  }
0x2a: {  	p0 =	seq.s32 s5, $0x0;
	s5 =	sld [smem:$0x3F9C]  }
0x2b: {  	s6 =	sld [smem:$0x3F9D]  }
0x2c: {  	s7 =	sld [smem:$0x3F9E]  }
0x2d: {  	s3 =	simm.s32 $0x108;
	s8 =	sld [smem:$0x3F9F]  }
0x2e: {  	s3 =	simm.s32 @!p0 $0x1082;
	s9 =	sld [smem:$0x3FA0]  }
0x2f: {  	lr =	sadd.s32 s0, s3;
	s0 =	sld [smem:$0x3F97]  }
0x30: {  	s3 =	sld [smem:$0x3F9A]  }
0x31: {  	[smem:$0x3FA3] =	sst s10  }
0x32: {  	s10 =	sld [smem:$0x3FA1];
	_ =	sdelay $0x3  }
0x33: {  	p0 =	seq.s32 s10, $0x1;
	s10 =	sld [smem:$0x3FA3];
	_ =	sdelay $0x3  }
0x34: {  	[smem:$0x3FA3] =	sst s10  }
0x35: {  	s10 =	sld [smem:$0x3FA2];
	_ =	sdelay $0x3  }
0x36: {  	p1 =	seq.s32 s10, $0x1;
	s10 =	sld [smem:$0x3FA3];
	_ =	sdelay $0x3  }
0x37: {  	[smem:$0x3FA3] =	sst s10  }
0x38: {  	s10 =	sld [smem:$0x3FA4]  }
0x39: {  	_ = 	snop;
	(pc) =	sbr.ind lr, $3  }
0x3a: {  	_ = 	snop  }
0x3b: {  	_ = 	snop  }
0x3c: {  	p2 =	seq.s32 s10, $0x1;
	s10 =	sld [smem:$0x3FA3]  }
0x3d: {  	_ =	shalt  }
0x3e: {  	_ =	shalt  }
0x3f: {  	_ =	shalt  }
0x40: {  	_ =	shalt  }
0x41: {  	_ =	shalt  }
0x42: {  	_ =	shalt  }
0x43: {  	_ =	shalt  }
0x44: {  	_ =	shalt  }
0x45: {  	_ =	shalt  }
0x46: {  	_ =	shalt  }
0x47: {  	_ =	shalt  }
0x48: {  	_ =	shalt  }
0x49: {  	_ =	shalt  }
0x4a: {  	_ =	shalt  }
0x4b: {  	_ =	shalt  }
0x4c: {  	_ =	shalt  }
0x4d: {  	_ =	shalt  }
0x4e: {  	_ =	shalt  }
0x4f: {  	_ =	shalt  }
0x50: {  	_ =	shalt  }
0x51: {  	_ =	shalt  }
0x52: {  	_ =	shalt  }
0x53: {  	_ =	shalt  }
0x54: {  	_ =	shalt  }
0x55: {  	_ =	shalt  }
0x56: {  	_ =	shalt  }
0x57: {  	_ =	shalt  }
0x58: {  	_ =	shalt  }
0x59: {  	_ =	shalt  }
0x5a: {  	_ =	shalt  }
0x5b: {  	_ =	shalt  }
0x5c: {  	_ =	shalt  }
0x5d: {  	_ =	shalt  }
0x5e: {  	_ =	shalt  }
0x5f: {  	_ =	shalt  }
0x60: {  	_ =	shalt  }
0x61: {  	_ =	shalt  }
0x62: {  	_ =	shalt  }
0x63: {  	_ =	shalt  }
0x64: {  	_ =	shalt  }
0x65: {  	_ =	shalt  }
0x66: {  	_ =	shalt  }
0x67: {  	_ =	shalt  }
0x68: {  	_ =	shalt  }
0x69: {  	_ =	shalt  }
0x6a: {  	_ =	shalt  }
0x6b: {  	_ =	shalt  }
0x6c: {  	_ =	shalt  }
0x6d: {  	_ =	shalt  }
0x6e: {  	_ =	shalt  }
0x6f: {  	_ =	shalt  }
0x70: {  	_ =	shalt  }
0x71: {  	_ =	shalt  }
0x72: {  	_ =	shalt  }
0x73: {  	_ =	shalt  }
0x74: {  	_ =	shalt  }
0x75: {  	_ =	shalt  }
0x76: {  	_ =	shalt  }
0x77: {  	_ =	shalt  }
0x78: {  	_ =	shalt  }
0x79: {  	_ =	shalt  }
0x7a: {  	_ =	shalt  }
0x7b: {  	_ =	shalt  }
0x7c: {  	_ =	shalt  }
0x7d: {  	_ =	shalt  }
0x7e: {  	_ =	shalt  }
0x7f: {  	_ =	shalt  }
0x80: {  	_ =	shalt  }
0x81: {  	_ =	shalt  }
0x82: {  	_ =	shalt  }
0x83: {  	_ =	shalt  }
0x84: {  	_ =	shalt  }
0x85: {  	_ =	shalt  }
0x86: {  	_ =	shalt  }
0x87: {  	_ =	shalt  }
.Lfunc_end0:
.L_simem_size_0:
called_computation_lowered:
.L_overlay_start_0:
0x88: {  	s2 =	sld [smem:$0x3FD9]  }
0x89: {  	s3 =	sld [smem:$0x3FFE];
	_ =	sdelay $0x1  }
0x8a: {  	s1 =	srdreg.scid  }
0x8b: {  	s0 =	sand.u32 $0x1, s1  }
0x8c: {  	s17 =	sshll.u32 s0, $0xA;
	s2 =	sadd.s32 s3, s2  }
0x8d: {  	s2 =	sadd.s32 s2, s17  }
0x8e: {  	[smem:$0x3FAF] =	sst s2  }
0x8f: {  	_ = 	snop  }
0x90: {  	s2 =	sld [smem:$0x3FC9]  }
0x91: {  	s18 =	sld [smem:$0x3FD0];
	(tm) =	ssettm $0x1  }
0x92: {  	s4 =	sld [smem:$0x3FFB];
	_ =	sdelay $0x3  }
0x93: {  	_ =	strace s4  }
0x94: {  	s4 =	sld [smem:$0x3FFC];
	_ =	sdelay $0x3  }
0x95: {  	_ =	strace s4  }
0x96: {  	s4 =	sld [smem:$0x3FFD];
	_ =	sdelay $0x3  }
0x97: {  	_ =	strace s4  }
0x98: {  	_ =	strace $0x8FFFFFFF  }
0x99: {  	s19 =	sld [smem:$0x3FDB];
	_ =	sdelay $0x1  }
0x9a: {  	s5 =	simm.s32 $_scs_section_size  }
0x9b: {  	s6 =	simm.s32 $_size__tile_overlayer_lowered;
	s7 =	simm.s32 $_tile_overlayer_lowered  }
0x9c: {  	s22 =	simm.s32 $0x1BFF;
	s21 =	sshll.u32 s7, $0x1;
	s4 =	sadd.s32 s5, s19  }
0x9d: {  	s8 =	simm.s32 $0x0;
	s20 =	sshll.u32 s6, $0x1;
	s6 =	sadd.s32 s21, s4  }
0x9e: {  	[timem:s8], [sflag:s22] =	dma.local [hbm:s6], s20  }
0x9f: {  	_ =	swait.ge [sflag:s22], s20  }
0xa0: {  	s5 =	ssub.s32 $0x0, s20;
	[sflag:s22] =	ssyncset.done $0x0  }
0xa1: {  	[sflag:s22] =	ssyncadd.s32 s5;
	_ =	sdelay $0x1  }
0xa2: {  	s23 =	simm.s32 $0x1B8B  }
0xa3: {  	_ =	swait.ge [sflag:s23], $0x1  }
0xa4: {  	[sflag:s23] =	ssyncset.done $0x0  }
0xa5: {  	s25 =	simm.s32 $0x1B8E;
	s24 =	sld [smem:$0x3FFE];
	[sflag:s23] =	ssyncadd.s32 $0xFFFFFFFF  }
0xa6: {  	s26 =	simm.s32 $execute0_lowered;
	[smem:$0x3FD2] =	sst s25  }
0xa7: {  	s6 =	sshll.u32 s26, $0x1;
	_ =	strace $0x80000046;
	[dreg:$0x1] =	wrdreg $0xFFFFFFFF  }
0xa8: {  	s28 =	simm.s32 $_size_execute0_lowered;
	s4 =	sadd.s32 s4, s6;
	[dreg:$0x0] =	wrdreg $0x0  }
0xa9: {  	s6 =	sshll.u32 s28, $0x1;
	[dreg:$0x2] =	wrdreg s4  }
0xaa: {  	[dreg:$0x3] =	wrdreg s6  }
0xab: {  	[dreg:$0x4] =	wrdreg $0xC0  }
0xac: {  	_ =	task [dreg:s8], $0x5FFFF  }
0xad: {  	[dreg:$0x1] =	wrdreg $0xFFFFFFFF  }
0xae: {  	[dreg:$0x0] =	wrdreg $0x60  }
0xaf: {  	[dreg:$0x2] =	wrdreg s2  }
0xb0: {  	[dreg:$0x3] =	wrdreg s24  }
0xb1: {  	[dreg:$0x4] =	wrdreg s18  }
0xb2: {  	[dreg:$0x5] =	wrdreg $0x81000  }
0xb3: {  	[dreg:$0x6] =	wrdreg $0x9  }
0xb4: {  	_ =	task.clear_ibuf [dreg:s8], $0x7FFFF;
	_ =	strace $0x90000046  }
0xb5: {  	s29 =	simm.s32 $0x9;
	_ =	strace $0x80000048  }
0xb6: {  	_ =	swait.ge [sflag:s29], $0x1  }
0xb7: {  	[sflag:s29] =	ssyncadd.s32 $0xFFFFFFFF  }
0xb8: {  	_ =	strace $0x90000048  }
0xb9: {  	_ =	sfence  }
0xba: {  	s30 =	sld [smem:$0x0];
	_ =	sdelay $0x2  }
0xbb: {  	s31 =	sshll.u32 s1, $0xD;
	s1 =	sshrl.u32 s1, $0x2  }
0xbc: {  	s3 =	sand.u32 $0x4000, s31;
	s1 =	sadd.s32 s1, s30  }
0xbd: {  	s0 =	sor.u32 s3, s0;
	s1 =	sshll.u32 s1, $0x11  }
0xbe: {  	s0 =	sor.u32 s1, s0  }
0xbf: {  	s0 =	sadd.s32 $0x8F2B, s0  }
0xc0: {  	[sflag:s0] =	ssyncadd.remote.s32 $0x1  }
0xc1: {  	_ =	sfence.sel $0xFFFF  }
0xc2: {  	[dreg:$0x0] =	wrdreg $0xFFFFFFFF;
	(pc) =	sbr.abs _section_cstart, $3  }
0xc3: {  	[dreg:$0x1] =	wrdreg $0xFFFFFFFF  }
0xc4: {  	_ =	task.clear_ibuf [dreg:s8], $0x2FFFF;
	_ =	strace $0x9FFFFFFF  }
0xc5: {  	(tm) =	ssettm $0x7FFFFFFF  }
tec
execute0_lowered:
.L_overlay_start_1:
0x0: {  	(tag) =	ssettag $0x1  }
0x1: {  	s1 =	rddreg [dreg:$0x0]  }
0x2: {  	s9 =	rddreg [dreg:$0x1]  }
0x3: {  	s3 =	rddreg [dreg:$0x2]  }
0x4: {  	s4 =	rddreg [dreg:$0x3]  }
0x5: {  	s0 =	rddreg [dreg:$0x4]  }
0x6: {  	s6 =	srdreg.scid;
	s2 =	stileid.u32  }
0x7: {  	s5 =	simm.s32 $0x0;
	s14 =	simm.s32 $0x2;
	s17 =	simm.s32 $0x80  }
0x8: {  	s18 =	simm.s32 $0x100;
	s19 =	simm.s32 $0x1;
	s20 =	simm.s32 $0x0  }
0x9: {  	s10 =	sand.u32 $0x1, s6;
	s8 =	smul.u32 $0x278, s2;
	[smem:$0x7FF] =	sst s5  }
0xa: {  	s6 =	sadd.s32 $0x5A00, s9;
	s7 =	sadd.s32 $0xFA00, s9;
	s12 =	smul.u32 $0x4F000, s2  }
0xb: {  	s15 =	sshll.u32 s2, $0x6;
	s11 =	smul.u32 $0x2780, s10;
	_ =	strace $0x80000047  }
0xc: {  	s31 =	ssub.s32 $0x2, s10;
	s10 =	sshll.u32 s10, $0x4;
	s15 =	sor.u32 $0x1C02, s15  }
0xd: {  	s13 =	sshrl.u32 s31, $0x1;
	s10 =	sor.u32 s2, s10;
	s12 =	sshrl.u32 s12, $0x2  }
0xe: {  	s11 =	sadd.s32 s8, s11;
	s8 =	sadd.s32 $0x19A00, s9;
	s13 =	ssub.s32 s31, s13  }
0xf: {  	s16 =	sadd.s32 s12, s4;
	s11 =	sshll.u32 s11, $0x4;
	s12 =	smax.u32 s13, $0x1  }
0x10: {  	s13 =	simm.s32 $0x4100;
	s16 =	sshrl.u32 s16, $0x3;
	s11 =	sadd.s32 s11, s9  }
0x11: {  	s9 =	smul.u32 $0x2800, s10;
	s10 =	sadd.s32 $0x6B200, s11;
	s11 =	sadd.s32 $0x1C200, s11  }
.LBB2_1:
0x12: {  	[tilespmem:s13], [sflag:$0x2] =	stream.linear.gather [hbm4b:s3+s5], $0x4000, $0x38;
	[tilespmem:$0x1BD00] =	vst v63  }
0x13: {  	_ =	swait.ge [sflag:s14], $0x4000  }
0x14: {  	[sflag:s14] =	ssyncset.done $0x0  }
0x15: {  	s21 =	sand.u32 $0x3C00, s5;
	[sflag:s14] =	ssyncadd.s32 $0xFFFFC000  }
0x16: {  	[spmem:s16], [sflag:s15] =	dma.local [hbm:s8], $0x2780  }
0x17: {  	s22 =	sand.u32 $0x380, s5;
	s21 =	sadd.s32 s9, s21;
	_ =	swait.ge [sflag:s14], $0x2780  }
0x18: {  	s21 =	sor.u32 s22, s21;
	[sflag:s14] =	ssyncset.done $0x0  }
0x19: {  	s21 =	sshrl.u32 s21, $0x3;
	[sflag:s14] =	ssyncadd.s32 $0xFFFFD880  }
0x1a: {  	s21 =	sadd.s32 s7, s21;
	[bflag:$0x0] =	sbarrier.arrive $0xFFFF  }
0x1b: {  	[tilespmem:s17], [sflag:$0x2] =	stream.linear.gather [hbm4b:s21+s5], $0x80, $0x38;
	[tilespmem:$0x1BD00] =	vst v63  }
0x1c: {  	_ =	swait.ge [sflag:s14], $0x80  }
0x1d: {  	s30 =	simm.s32 $0x80;
	[sflag:s14] =	ssyncset.done $0x0  }
0x1e: {  	s31 =	sand.u32 $0x3C00, s30;
	[sflag:s14] =	ssyncadd.s32 $0xFFFFFF80  }
0x1f: {  	[spmem:s4] =	stream.indirect.scatter.add.f32 [tilespmem:s13], [sflag:$0x2], $0x80, s17, s17, $0xb8;
	[tilespmem:$0x1BD00] =	vst v63  }
0x20: {  	s23 =	sand.u32 $0x380, s30;
	s22 =	sadd.s32 s9, s31;
	_ =	swait.ge [sflag:s14], $0x4000  }
0x21: {  	s22 =	sor.u32 s23, s22;
	s21 =	simm.s32 $0x100;
	[sflag:s14] =	ssyncset.done $0x0  }
.LBB2_2:
0x22: {  	s22 =	sshrl.u32 s22, $0x3  }
0x23: {  	[sflag:s14] =	ssyncadd.s32 $0xFFFFC000;
	s23 =	smov.u32 s21;
	s24 =	sadd.s32 $0x80, s21  }
0x24: {  	p0 =	sne.s32 s21, $0x2700;
	s21 =	sadd.s32 s7, s22  }
0x25: {  	[tilespmem:s17], [sflag:$0x2] =	stream.linear.gather [hbm4b:s21+s5], $0x80, $0x38;
	[tilespmem:$0x1BD00] =	vst v63  }
0x26: {  	_ =	swait.ge [sflag:s14], $0x80  }
.Ltmp0:
0x27: {  	[sflag:s14] =	ssyncset.done $0x0;
	(pc) =	sbr.rel @p0 .LBB2_2-.Ltmp0, $4  }
0x28: {  	s21 =	sand.u32 $0x3C00, s23;
	[sflag:s14] =	ssyncadd.s32 $0xFFFFFF80  }
0x29: {  	[spmem:s4] =	stream.indirect.scatter.add.f32 [tilespmem:s13], [sflag:$0x2], $0x80, s17, s17, $0xb8;
	[tilespmem:$0x1BD00] =	vst v63  }
0x2a: {  	s22 =	sand.u32 $0x380, s23;
	s21 =	sadd.s32 s9, s21;
	_ =	swait.ge [sflag:s14], $0x4000  }
0x2b: {  	s22 =	sor.u32 s22, s21;
	s21 =	smov.u32 s24;
	[sflag:s14] =	ssyncset.done $0x0  }
0x2c: {  	s21 =	sshrl.u32 s22, $0x3  }
0x2d: {  	[sflag:s14] =	ssyncadd.s32 $0xFFFFC000;
	s21 =	sadd.s32 s7, s21  }
0x2e: {  	[tilespmem:s17], [sflag:$0x2] =	stream.linear.gather [hbm4b:s21+s5], $0x80, $0x38;
	[tilespmem:$0x1BD00] =	vst v63  }
0x2f: {  	_ =	swait.ge [sflag:s14], $0x80  }
0x30: {  	[sflag:s14] =	ssyncset.done $0x0  }
0x31: {  	[sflag:s14] =	ssyncadd.s32 $0xFFFFFF80  }
0x32: {  	[spmem:s4] =	stream.indirect.scatter.add.f32 [tilespmem:s13], [sflag:$0x2], $0x80, s17, s17, $0xb8;
	[tilespmem:$0x1BD00] =	vst v63  }
0x33: {  	_ =	swait.ge [sflag:s14], $0x4000  }
0x34: {  	[sflag:s14] =	ssyncset.done $0x0  }
0x35: {  	[sflag:s14] =	ssyncadd.s32 $0xFFFFC000  }
0x36: {  	[bflag:$0x0] =	sbarrier.arrive $0xFFFF  }
0x37: {  	[hbm:s10], [sflag:s15] =	dma.local [spmem:s16], $0x2780  }
0x38: {  	_ =	swait.ge [sflag:s14], $0x2780  }
0x39: {  	s26 =	simm.s32 $0x0;
	[sflag:s14] =	ssyncset.done $0x0  }
0x3a: {  	s28 =	sand.u32 $0x3C00, s26;
	[sflag:s14] =	ssyncadd.s32 $0xFFFFD880  }
0x3b: {  	[spmem:s16], [sflag:s15] =	dma.local [hbm:s8], $0x2780  }
0x3c: {  	s22 =	sadd.s32 s9, s28;
	s21 =	sand.u32 $0x380, s26;
	_ =	swait.ge [sflag:s14], $0x2780  }
0x3d: {  	s21 =	sor.u32 s21, s22;
	[sflag:s14] =	ssyncset.done $0x0  }
0x3e: {  	s21 =	sshrl.u32 s21, $0x3;
	[sflag:s14] =	ssyncadd.s32 $0xFFFFD880  }
0x3f: {  	s29 =	sadd.s32 s6, s21;
	[bflag:$0x0] =	sbarrier.arrive $0xFFFF  }
0x40: {  	[tilespmem:s5], [sflag:$0x2] =	stream.linear.gather [hbm4b:s29+s5], $0x80, $0x38;
	[tilespmem:$0x1BD00] =	vst v63  }
0x41: {  	_ =	swait.ge [sflag:s14], $0x80  }
0x42: {  	[sflag:s14] =	ssyncset.done $0x0  }
0x43: {  	s21 =	sadd.s32 s7, s21;
	[sflag:s14] =	ssyncadd.s32 $0xFFFFFF80  }
0x44: {  	[tilespmem:s17], [sflag:$0x2] =	stream.linear.gather [hbm4b:s21+s5], $0x80, $0x38;
	[tilespmem:$0x1BD00] =	vst v63  }
0x45: {  	_ =	swait.ge [sflag:s14], $0x80  }
0x46: {  	[sflag:s14] =	ssyncset.done $0x0  }
0x47: {  	[sflag:s14] =	ssyncadd.s32 $0xFFFFFF80  }
0x48: {  	[tilespmem:s18], [sflag:$0x1] =	stream.indirect.gather [hbm4b:s1+s17], $0x80, s5, s17, $0xb8;
	[tilespmem:$0x1BD00] =	vst v63  }
0x49: {  	_ =	swait.ge [sflag:s19], $0x4000  }
0x4a: {  	s30 =	simm.s32 $0x80;
	[sflag:s19] =	ssyncset.done $0x0  }
0x4b: {  	s31 =	sand.u32 $0x3C00, s30;
	[sflag:s19] =	ssyncadd.s32 $0xFFFFC000  }
0x4c: {  	[spmem:s4] =	stream.indirect.scatter.add.f32 [tilespmem:s18], [sflag:$0x2], $0x80, s17, s17, $0xb8;
	[tilespmem:$0x1BD00] =	vst v63  }
0x4d: {  	s23 =	sand.u32 $0x380, s30;
	s22 =	sadd.s32 s9, s31;
	_ =	swait.ge [sflag:s14], $0x4000  }
0x4e: {  	s22 =	sor.u32 s23, s22;
	s21 =	simm.s32 $0x100;
	[sflag:s14] =	ssyncset.done $0x0  }
.LBB2_4:
0x4f: {  	s22 =	sshrl.u32 s22, $0x3  }
0x50: {  	[sflag:s14] =	ssyncadd.s32 $0xFFFFC000;
	s23 =	smov.u32 s21;
	s24 =	sadd.s32 $0x80, s21  }
0x51: {  	p0 =	sne.s32 s21, $0x2700;
	s21 =	sadd.s32 s6, s22  }
0x52: {  	[tilespmem:s5], [sflag:$0x2] =	stream.linear.gather [hbm4b:s21+s5], $0x80, $0x38;
	[tilespmem:$0x1BD00] =	vst v63  }
0x53: {  	_ =	swait.ge [sflag:s14], $0x80  }
0x54: {  	[sflag:s14] =	ssyncset.done $0x0  }
0x55: {  	s21 =	sadd.s32 s7, s22;
	[sflag:s14] =	ssyncadd.s32 $0xFFFFFF80  }
0x56: {  	[tilespmem:s17], [sflag:$0x2] =	stream.linear.gather [hbm4b:s21+s5], $0x80, $0x38;
	[tilespmem:$0x1BD00] =	vst v63  }
0x57: {  	_ =	swait.ge [sflag:s14], $0x80  }
0x58: {  	[sflag:s14] =	ssyncset.done $0x0  }
0x59: {  	[sflag:s14] =	ssyncadd.s32 $0xFFFFFF80  }
0x5a: {  	[tilespmem:s18], [sflag:$0x1] =	stream.indirect.gather [hbm4b:s1+s17], $0x80, s5, s17, $0xb8;
	[tilespmem:$0x1BD00] =	vst v63  }
0x5b: {  	_ =	swait.ge [sflag:s19], $0x4000  }
.Ltmp1:
0x5c: {  	[sflag:s19] =	ssyncset.done $0x0;
	(pc) =	sbr.rel @p0 .LBB2_4-.Ltmp1, $4  }
0x5d: {  	s21 =	sand.u32 $0x3C00, s23;
	[sflag:s19] =	ssyncadd.s32 $0xFFFFC000  }
0x5e: {  	[spmem:s4] =	stream.indirect.scatter.add.f32 [tilespmem:s18], [sflag:$0x2], $0x80, s17, s17, $0xb8;
	[tilespmem:$0x1BD00] =	vst v63  }
0x5f: {  	s22 =	sand.u32 $0x380, s23;
	s21 =	sadd.s32 s9, s21;
	_ =	swait.ge [sflag:s14], $0x4000  }
0x60: {  	s22 =	sor.u32 s22, s21;
	s21 =	smov.u32 s24;
	[sflag:s14] =	ssyncset.done $0x0  }
0x61: {  	s21 =	sshrl.u32 s22, $0x3  }
0x62: {  	[sflag:s14] =	ssyncadd.s32 $0xFFFFC000;
	s22 =	sadd.s32 s6, s21  }
0x63: {  	[tilespmem:s5], [sflag:$0x2] =	stream.linear.gather [hbm4b:s22+s5], $0x80, $0x38;
	[tilespmem:$0x1BD00] =	vst v63  }
0x64: {  	_ =	swait.ge [sflag:s14], $0x80  }
0x65: {  	[sflag:s14] =	ssyncset.done $0x0  }
0x66: {  	s21 =	sadd.s32 s7, s21;
	[sflag:s14] =	ssyncadd.s32 $0xFFFFFF80  }
0x67: {  	[tilespmem:s17], [sflag:$0x2] =	stream.linear.gather [hbm4b:s21+s5], $0x80, $0x38;
	[tilespmem:$0x1BD00] =	vst v63  }
0x68: {  	_ =	swait.ge [sflag:s14], $0x80  }
0x69: {  	[sflag:s14] =	ssyncset.done $0x0  }
0x6a: {  	[sflag:s14] =	ssyncadd.s32 $0xFFFFFF80  }
0x6b: {  	[tilespmem:s18], [sflag:$0x1] =	stream.indirect.gather [hbm4b:s1+s17], $0x80, s5, s17, $0xb8;
	[tilespmem:$0x1BD00] =	vst v63  }
0x6c: {  	_ =	swait.ge [sflag:s19], $0x4000  }
0x6d: {  	[sflag:s19] =	ssyncset.done $0x0  }
0x6e: {  	[sflag:s19] =	ssyncadd.s32 $0xFFFFC000  }
0x6f: {  	[spmem:s4] =	stream.indirect.scatter.add.f32 [tilespmem:s18], [sflag:$0x2], $0x80, s17, s17, $0xb8;
	[tilespmem:$0x1BD00] =	vst v63  }
0x70: {  	_ =	swait.ge [sflag:s14], $0x4000  }
0x71: {  	s20 =	sadd.s32 $0x1, s20;
	[sflag:s14] =	ssyncset.done $0x0  }
0x72: {  	p0 =	sne.s32 s20, s12;
	[sflag:s14] =	ssyncadd.s32 $0xFFFFC000  }
.Ltmp2:
0x73: {  	[bflag:$0x0] =	sbarrier.arrive $0xFFFF;
	(pc) =	sbr.rel @p0 .LBB2_1-.Ltmp2, $4  }
0x74: {  	[hbm:s11], [sflag:s15] =	dma.local [spmem:s16], $0x2780  }
0x75: {  	_ =	swait.ge [sflag:s14], $0x2780  }
0x76: {  	[sflag:s14] =	ssyncset.done $0x0  }
0x77: {  	[sflag:s14] =	ssyncadd.s32 $0xFFFFD880  }
0x78: {  	_ =	sfence.sel $0x180000  }
0x79: {  	[bflag:$0x0] =	sbarrier.arrive $0xFFFF  }
0x7a: {  	p0 =	sne.s32 s2, $0x0;
	_ =	strace $0x90000047  }
0x7b: {  	s0 =	sadd.s32 @!p0 $0x100000, s0;
	[bflag:$0x2] =	sbarrier.arrive $0xFFFF  }
0x7c: {  	[sflag:s0] =	ssyncadd.tile.s32 @!p0 $0x1;
	_ =	shalt  }
.Lfunc_end2:
_tile_overlayer_lowered:
.L_overlay_start_2:
0x7d: {  	(tag) =	ssettag $0x2  }
0x7e: {  	s0 =	rddreg [dreg:$0x0];
	s2 =	stileid.u32  }
0x7f: {  	s1 =	rddreg [dreg:$0x1];
	p0 =	sne.s32 s2, $0x0  }
0x80: {  	s3 =	rddreg [dreg:$0x2];
	[bflag:$0x3] =	sbarrier.arrive $0xFFFF;
	s2 =	simm.s32 @!p0 $0x1C02  }
0x81: {  	[timem:s3], [sflag:s2] =	dma.local @!p0 [hbm:s0], s1  }
0x82: {  	s0 =	simm.s32 @!p0 $0x2  }
0x83: {  	_ =	swait.ge @!p0 [sflag:s0], s1  }
0x84: {  	s1 =	ssub.s32 @!p0 $0x0, s1;
	[sflag:s0] =	ssyncset.done @!p0 $0x0  }
0x85: {  	[sflag:s0] =	ssyncadd.s32 @!p0 s1  }
0x86: {  	[bflag:$0x3] =	sbarrier.arrive $0xFFFF  }
0x87: {  	_ =	shalt  }

</sc_bundles>
